<compile_context>
chip_gen: v7x
topology: tpu7x:2x2x1
jax: 0.10.2.dev20260603
libtpu: 0.0.44.dev20260713+nightly
codegen_flags: <defaults>
</compile_context>

<pallas_src>
import functools

import jax
import jax.numpy as jnp
import numpy as np
from jax import lax
from jax.experimental import pallas as pl
from jax.experimental.pallas import tpu as pltpu
from jax.experimental.pallas import tpu_sc as plsc

_EOS = 3
_NCMD = 6
_NARGS = 16
_ADIM = 257
_EW = [float(np.exp(-2.0 * abs(k))) for k in range(-3, 4)]

_B, _S = 128, 64
_BT = 64
_NW = 32
_SC_POS0 = _BT * _S * _NARGS
_SC_NPOS = (_B - _BT) * _S * _NARGS
_PER_W = _SC_NPOS // _NW
_CHUNK = 128
_NCH = _PER_W // _CHUNK


def _tc_body(t_ref, cmdm_ref, cmdl_ref, cl_ref, x_ref, part_ref, acc_ref):
    i = pl.program_id(0)
    n = pl.num_programs(0)
    x = x_ref[...]
    t = t_ref[...] + 1

    e = jnp.exp(x)
    s = jnp.sum(e, axis=-1)

    c = jax.lax.broadcasted_iota(jnp.int32, x.shape, 3)
    ad = jnp.abs(c - t[..., None])
    w = jnp.where(ad <= 3, jnp.exp(-2.0 * ad.astype(jnp.float32)), 0.0)
    z = jnp.sum(w, axis=-1)
    g = jnp.sum(w * x, axis=-1)

    tf = t.astype(jnp.float32)
    delta = jnp.where(t >= 253, _EW[0] - jnp.exp(-2.0 * (256.0 - tf)), 0.0)
    z = z + delta
    g = g + delta * x[..., 256]

    cmdb = cmdm_ref[...][0][..., None]
    a = jax.lax.broadcasted_iota(jnp.int32, t.shape, 2)
    mask = (((cmdb == 0) & (a < 2)) |
            ((cmdb == 1) & (a < 4)) |
            ((cmdb == 2) & ((a < 2) | (a == 4))) |
            ((cmdb == 5) & (a >= 5))).astype(jnp.float32)

    la = jnp.sum(mask * (jnp.log(s) - g / z))
    da = jnp.sum(mask)

    cl = cl_ref[...]
    cmdf = cmdl_ref[...][0]
    eos = (cmdf == _EOS).astype(jnp.float32)
    sdim = cmdf.shape[1]
    r = jax.lax.broadcasted_iota(jnp.int32, (sdim, sdim), 0)
    cc = jax.lax.broadcasted_iota(jnp.int32, (sdim, sdim), 1)
    tri = (r < cc).astype(jnp.float32)
    excl = jnp.dot(eos, tri, preferred_element_type=jnp.float32)
    pad0 = (excl == 0.0).astype(jnp.float32)
    vis = (jnp.sum(eos, axis=1) < float(sdim)).astype(jnp.float32)
    pad = pad0 * vis[:, None]
    mx = jnp.max(cl, axis=-1)
    lse6 = mx + jnp.log(jnp.sum(jnp.exp(cl - mx[..., None]), axis=-1))
    c6 = jax.lax.broadcasted_iota(jnp.int32, cl.shape, 2)
    picked = jnp.sum(jnp.where(c6 == cmdf[..., None], cl, 0.0), axis=-1)
    nll = lse6 - picked
    lc = jnp.sum(pad * nll)
    dc = jnp.sum(pad)

    @pl.when(i == 0)
    def _():
        acc_ref[0] = la
        acc_ref[1] = da
        acc_ref[2] = lc
        acc_ref[3] = dc

    @pl.when(i != 0)
    def _():
        acc_ref[0] += la
        acc_ref[1] += da
        acc_ref[2] += lc
        acc_ref[3] += dc

    @pl.when(i == n - 1)
    def _():
        part_ref[0, 0] = acc_ref[0]
        part_ref[0, 1] = acc_ref[1]
        part_ref[0, 2] = acc_ref[2]
        part_ref[0, 3] = acc_ref[3]


def _sc_body(xflat_ref, aflat_ref, cflat_ref, sm_ref, pp_ref,
             xbuf, abuf, cbuf, sbuf, pbuf):
    wid = lax.axis_index("s") * 2 + lax.axis_index("c")
    base = pl.multiple_of(_SC_POS0 + wid * _PER_W, _CHUNK)
    lane = lax.iota(jnp.int32, 16)
    lanef = lane.astype(jnp.float32)
    zero = jnp.zeros((16,), jnp.float32)

    def _chunk(ch, carry):
        cb = pl.multiple_of(base + ch * _CHUNK, _CHUNK)
        pltpu.sync_copy(
            xflat_ref.at[pl.ds(pl.multiple_of(cb * _ADIM, 8),
                               _CHUNK * _ADIM)], xbuf)
        pltpu.sync_copy(aflat_ref.at[pl.ds(cb, _CHUNK)], abuf)
        pltpu.sync_copy(
            cflat_ref.at[pl.ds(pl.multiple_of(cb // _NARGS, 8),
                               _CHUNK // _NARGS)],
            cbuf.at[pl.ds(0, _CHUNK // _NARGS)])

        def _group(j, carry2):
            p1a, daa = carry2
            jb = pl.multiple_of(16 * j, 16)
            t = abuf[pl.ds(jb, 16)] + 1
            cmd = plsc.load_gather(cbuf, [lane * 0 + j])
            lanebase = (16 * j + lane) * _ADIM

            maskb = (((cmd == 0) & (lane < 2)) |
                     ((cmd == 1) & (lane < 4)) |
                     ((cmd == 2) & ((lane < 2) | (lane == 4))) |
                     ((cmd == 5) & (lane >= 5)))
            maskf = jnp.where(maskb, 1.0, 0.0)

            def _cls(it, accs):
                a0, a1, a2, a3 = accs
                vals = []
                for u in range(8):
                    v = plsc.load_gather(xbuf, [lanebase + (8 * it + u)])
                    vals.append(jnp.exp(v))
                a0 = a0 + vals[0] + vals[4]
                a1 = a1 + vals[1] + vals[5]
                a2 = a2 + vals[2] + vals[6]
                a3 = a3 + vals[3] + vals[7]
                return (a0, a1, a2, a3)

            accs = lax.fori_loop(0, 32, _cls, (zero, zero, zero, zero))
            v256 = plsc.load_gather(xbuf, [lanebase + 256])
            s = accs[0] + accs[1] + accs[2] + accs[3] + jnp.exp(v256)

            g = zero
            z = zero
            for k in range(7):
                tpk = t + (k - 3)
                st = jnp.clip(tpk, 0, _ADIM - 1)
                if k == 6:
                    surv = tpk >= 0
                else:
                    surv = (tpk >= 0) & (tpk <= 255)
                wk = jnp.where(surv, _EW[k], 0.0)
                vk = plsc.load_gather(xbuf, [lanebase + st])
                g = g + wk * vk
                z = z + wk
            sbuf[pl.ds(jb, 16)] = jnp.where(maskb, s, 1.0)
            return (p1a + maskf * (g / z), daa + maskf)

        carry = lax.fori_loop(0, _CHUNK // 16, _group, carry)
        pltpu.sync_copy(
            sbuf, sm_ref.at[pl.ds(pl.multiple_of(cb - _SC_POS0, 8),
                                  _CHUNK)])
        return carry

    p1acc, daacc = lax.fori_loop(0, _NCH, _chunk, (zero, zero))

    pbuf[pl.ds(0, 16)] = p1acc
    pbuf[pl.ds(16, 16)] = daacc
    pltpu.sync_copy(pbuf,
                    pp_ref.at[pl.ds(pl.multiple_of(wid * 32, 8), 32)])


def _combine_body(part_ref, pp_ref, sm_ref, oc_ref, oa_ref):
    logs = jnp.log(sm_ref[...])
    pp = pp_ref[...]
    r = jax.lax.broadcasted_iota(jnp.int32, pp.shape, 1)
    flat = jax.lax.broadcasted_iota(jnp.int32, pp.shape, 0) * 128 + r
    is_p1 = ((flat // 16) % 2) == 0
    p1_sc = jnp.sum(jnp.where(is_p1, pp, 0.0))
    da_sc = jnp.sum(jnp.where(is_p1, 0.0, pp))
    la = part_ref[0, 0] + jnp.sum(logs) - p1_sc
    da = part_ref[0, 1] + da_sc
    oc_ref[0, 0] = part_ref[0, 2] / part_ref[0, 3]
    oa_ref[0, 0] = 2.0 * la / da


@jax.jit
def kernel(command_logits, args_logits, command, args):
    bsz, sdim = command.shape
    bb = 4
    grid = _BT // bb
    bc = bsz // grid

    xflat = args_logits.reshape(-1)
    aflat = args.reshape(-1)
    cflat = command.reshape(-1)

    part = pl.pallas_call(
        _tc_body,
        grid=(grid,),
        in_specs=[
            pl.BlockSpec((bb, sdim, _NARGS), lambda i: (i, 0, 0)),
            pl.BlockSpec((1, bb, sdim), lambda i: (i, 0, 0)),
            pl.BlockSpec((1, bc, sdim), lambda i: (i, 0, 0)),
            pl.BlockSpec((bc, sdim, _NCMD), lambda i: (i, 0, 0)),
            pl.BlockSpec((bb, sdim, _NARGS, _ADIM), lambda i: (i, 0, 0, 0)),
        ],
        out_specs=pl.BlockSpec((1, 4), lambda i: (0, 0),
                               memory_space=pltpu.SMEM),
        out_shape=jax.ShapeDtypeStruct((1, 4), jnp.float32),
        scratch_shapes=[pltpu.SMEM((4,), jnp.float32)],
        compiler_params=pltpu.CompilerParams(
            dimension_semantics=("arbitrary",)),
    )(args, command.reshape(bsz // bb, bb, sdim),
      command.reshape(grid, bc, sdim), command_logits, args_logits)

    mesh = plsc.VectorSubcoreMesh(core_axis_name="c", subcore_axis_name="s")
    sc_call = functools.partial(
        pl.kernel, mesh=mesh,
        out_type=[
            jax.ShapeDtypeStruct((_SC_NPOS,), jnp.float32),
            jax.ShapeDtypeStruct((_NW * 32,), jnp.float32),
        ],
        scratch_types=[
            pltpu.VMEM((_CHUNK * _ADIM,), jnp.float32),
            pltpu.VMEM((_CHUNK,), jnp.int32),
            pltpu.VMEM((16,), jnp.int32),
            pltpu.VMEM((_CHUNK,), jnp.float32),
            pltpu.VMEM((32,), jnp.float32),
        ],
        compiler_params=pltpu.CompilerParams(needs_layout_passes=False),
    )(_sc_body)
    sm, pp = sc_call(xflat, aflat, cflat)

    scalar_spec0 = pl.BlockSpec((1, 1), lambda: (0, 0),
                                memory_space=pltpu.SMEM)
    oc, oa = pl.pallas_call(
        _combine_body,
        in_specs=[
            pl.BlockSpec((1, 4), lambda: (0, 0), memory_space=pltpu.SMEM),
            pl.BlockSpec((_NW * 32 // 128, 128), lambda: (0, 0)),
            pl.BlockSpec((_SC_NPOS // 128, 128), lambda: (0, 0)),
        ],
        out_specs=[scalar_spec0] * 2,
        out_shape=[jax.ShapeDtypeStruct((1, 1), jnp.float32)] * 2,
    )(part, pp.reshape(_NW * 32 // 128, 128),
      sm.reshape(_SC_NPOS // 128, 128))

    return (oc[0, 0], oa[0, 0])

# --- scband reference (transcript-rebuilt; emitter-appended) ---
"""Pipeline reference for scband-new-cadloss-65463891526160 (READ-ONLY COPY).

The authoritative reference and input builder live on the scoring server;
editing this copy changes nothing except your own understanding.
"""

import jax, jax.numpy as jnp
import numpy as np

EOS_IDX = 3
N_COMMANDS = 6
N_ARGS = 16
ARGS_DIM = 257
LOSS_CMD_W = 1.0
LOSS_ARGS_W = 2.0
CAD_CMD_ARGS_MASK = np.array([
    [1,1,0,0,0,0,0,0,0,0,0,0,0,0,0,0],
    [1,1,1,1,0,0,0,0,0,0,0,0,0,0,0,0],
    [1,1,0,0,1,0,0,0,0,0,0,0,0,0,0,0],
    [0,0,0,0,0,0,0,0,0,0,0,0,0,0,0,0],
    [0,0,0,0,0,0,0,0,0,0,0,0,0,0,0,0],
    [0,0,0,0,0,1,1,1,1,1,1,1,1,1,1,1]], dtype=np.float32)


def _visibility_mask(commands):
    S = commands.shape[-1]
    return ((commands == EOS_IDX).sum(axis=-1) < S).astype(jnp.float32)


def _padding_mask_ext(commands):
    pm = (jnp.cumsum((commands == EOS_IDX).astype(jnp.int32), axis=-1) == 0).astype(jnp.float32)
    shifted = jnp.concatenate([jnp.ones_like(pm[..., :1]), pm[..., :-1]], axis=-1)
    return jnp.clip(pm + shifted, 0.0, 1.0)


def gumbel_loss(pred, target, mask, tolerance=3, alpha=2.0):
    B, S, NA, NC = pred.shape
    target = target + 1
    pred_probs = jax.nn.softmax(pred, axis=-1)
    target_dist = jnp.zeros_like(pred_probs)
    for shift in range(-tolerance, tolerance + 1):
        st = jnp.clip(target + shift, 0, NC - 1)
        w = jnp.exp(jnp.asarray(-alpha * abs(shift), dtype=jnp.float32))
        oh = jax.nn.one_hot(st, NC, dtype=pred.dtype)
        # scatter_ with overwrite semantics (later shifts win on collisions)
        target_dist = target_dist * (1.0 - oh) + w * oh
    target_dist = target_dist / target_dist.sum(axis=-1, keepdims=True)
    loss_per_position = -jnp.sum(target_dist * jnp.log(pred_probs + 1e-9), axis=-1)
    return (loss_per_position * mask).sum() / mask.sum()


def setup_inputs(seed: int = 0):
    key = jax.random.key(seed)
    k1, k2, k3, k4 = jax.random.split(key, 4)
    B, S = 128, 64
    return {
        "command_logits": jax.random.normal(k1, (B, S, N_COMMANDS), dtype=jnp.float32),
        "args_logits": jax.random.normal(k2, (B, S, N_ARGS, ARGS_DIM), dtype=jnp.float32),
        "command": jax.random.randint(k3, (B, S), 0, N_COMMANDS, dtype=jnp.int32),
        "args": jax.random.randint(k4, (B, S, N_ARGS), 0, 256, dtype=jnp.int32),
    }


def reference(command_logits, args_logits, command, args):
    vis = _visibility_mask(command)
    pad = _padding_mask_ext(command) * vis[..., None]
    cmd_args_mask = jnp.asarray(CAD_CMD_ARGS_MASK)
    mask = cmd_args_mask[command]  # [B, S, N_ARGS]
    # cross entropy over valid positions == masked mean of per-position NLL
    logp = jax.nn.log_softmax(command_logits, axis=-1)
    nll = -jnp.take_along_axis(logp, command[..., None], axis=-1)[..., 0]
    loss_cmd = (nll * pad).sum() / pad.sum()
    loss_args = gumbel_loss(args_logits, args, mask)
    return (LOSS_CMD_W * loss_cmd, LOSS_ARGS_W * loss_args)

if __name__ == "__main__":
    import jax
    _d = setup_inputs()
    print(jax.jit(kernel)(*tuple(_d.values())))

</pallas_src>

<mosaic_0001>
#map = affine_map<(d0, d1) -> (0)>
module attributes {stable_mosaic.version = 14 : i64} {
  func.func @_sc_body(%arg0: i32, %arg1: i32, %arg2: memref<33685504xf32, #tpu.memory_space<hbm>>, %arg3: memref<131072xi32, #tpu.memory_space<hbm>>, %arg4: memref<8192xi32, #tpu.memory_space<hbm>>, %arg5: memref<65536xf32, #tpu.memory_space<hbm>>, %arg6: memref<1024xf32, #tpu.memory_space<hbm>>, %arg7: memref<32896xf32, #tpu.memory_space<vmem>>, %arg8: memref<128xi32, #tpu.memory_space<vmem>>, %arg9: memref<16xi32, #tpu.memory_space<vmem>>, %arg10: memref<128xf32, #tpu.memory_space<vmem>>, %arg11: memref<32xf32, #tpu.memory_space<vmem>>) attributes {dimension_semantics = [#tpu.dimension_semantics<core_parallel>, #tpu.dimension_semantics<subcore_parallel>], iteration_bounds = array<i64: 2, 16>, scalar_prefetch = 0 : i64, scratch_operands = 5 : i64, tpu.core_type = #tpu.core_type<sc_vector_subcore>, window_params = [{transform_indices = #map}, {transform_indices = #map}, {transform_indices = #map}, {transform_indices = #map}, {transform_indices = #map}]} {
    %mul3A = arith.constant 2 : i32
    %mul3A_0 = arith.muli %arg1, %mul3A : i32
    %add3A = arith.addi %mul3A_0, %arg0 : i32
    %mul3A_1 = arith.constant 2048 : i32
    %mul3A_2 = arith.muli %add3A, %mul3A_1 : i32
    %add3A_3 = arith.constant 65536 : i32
    %add3A_4 = arith.addi %add3A_3, %mul3A_2 : i32
    %multiple_of3A = tpu.assume_multiple %add3A_4, 128 : i32
    %iota3A = tpu.iota {dimensions = array<i32: 0>} : vector<16xi32>
    %convert_element_type3A = arith.sitofp %iota3A : vector<16xi32> to vector<16xf32>
    %broadcast_in_dim3A = arith.constant 0.000000e+00 : f32
    %broadcast_in_dim3A_5 = vector.broadcast %broadcast_in_dim3A : f32 to vector<16xf32>
    %scan3A = arith.constant 0 : i32
    %scan3A_6 = arith.constant 16 : i32
    %scan3A_7 = arith.addi %scan3A, %scan3A_6 : i32
    %scan3A_8 = arith.constant 1 : i32
    %scan3A_9:2 = scf.for %scan3A_17 = %scan3A to %scan3A_7 step %scan3A_8 iter_args(%scan3A_18 = %broadcast_in_dim3A_5, %scan3A_19 = %broadcast_in_dim3A_5) -> (vector<16xf32>, vector<16xf32>)  : i32 {
      %mul3A_20 = arith.constant 128 : i32
      %mul3A_21 = arith.muli %scan3A_17, %mul3A_20 : i32
      %add3A_22 = arith.addi %multiple_of3A, %mul3A_21 : i32
      %multiple_of3A_23 = tpu.assume_multiple %add3A_22, 128 : i32
      %mul3A_24 = arith.constant 257 : i32
      %mul3A_25 = arith.muli %multiple_of3A_23, %mul3A_24 : i32
      %multiple_of3A_26 = tpu.assume_multiple %mul3A_25, 8 : i32
      "tpu.region"() ({
        %run_scoped3A = tpu.sem_alloc : memref<!tpu.dma_semaphore, #tpu.memory_space<semaphore_mem>>
        %dma_start3A = tpu.memref_slice %arg2[%multiple_of3A_26] : memref<33685504xf32, #tpu.memory_space<hbm>> -> memref<32896xf32, #tpu.memory_space<hbm>>
        %dma_start3A_53 = tpu.memref_slice %arg2[%multiple_of3A_26] : memref<33685504xf32, #tpu.memory_space<hbm>> -> memref<32896xf32, #tpu.memory_space<hbm>>
        tpu.enqueue_dma source(%dma_start3A_53 : memref<32896xf32, #tpu.memory_space<hbm>>) target(%arg7 : memref<32896xf32, #tpu.memory_space<vmem>>) target_semaphore(%run_scoped3A : memref<!tpu.dma_semaphore, #tpu.memory_space<semaphore_mem>>)
        %dma_wait3A = tpu.memref_slice %arg2[%multiple_of3A_26] : memref<33685504xf32, #tpu.memory_space<hbm>> -> memref<32896xf32, #tpu.memory_space<hbm>>
        %dma_wait3A_54 = tpu.memref_slice %arg2[%multiple_of3A_26] : memref<33685504xf32, #tpu.memory_space<hbm>> -> memref<32896xf32, #tpu.memory_space<hbm>>
        tpu.wait_dma2 semaphore(%run_scoped3A : memref<!tpu.dma_semaphore, #tpu.memory_space<semaphore_mem>>) src(%dma_wait3A_54 : memref<32896xf32, #tpu.memory_space<hbm>>) dst(%arg7 : memref<32896xf32, #tpu.memory_space<vmem>>)
        tpu.yield
      }) : () -> ()
      "tpu.region"() ({
        %run_scoped3A = tpu.sem_alloc : memref<!tpu.dma_semaphore, #tpu.memory_space<semaphore_mem>>
        %dma_start3A = tpu.memref_slice %arg3[%multiple_of3A_23] : memref<131072xi32, #tpu.memory_space<hbm>> -> memref<128xi32, #tpu.memory_space<hbm>>
        %dma_start3A_53 = tpu.memref_slice %arg3[%multiple_of3A_23] : memref<131072xi32, #tpu.memory_space<hbm>> -> memref<128xi32, #tpu.memory_space<hbm>>
        tpu.enqueue_dma source(%dma_start3A_53 : memref<128xi32, #tpu.memory_space<hbm>>) target(%arg8 : memref<128xi32, #tpu.memory_space<vmem>>) target_semaphore(%run_scoped3A : memref<!tpu.dma_semaphore, #tpu.memory_space<semaphore_mem>>)
        %dma_wait3A = tpu.memref_slice %arg3[%multiple_of3A_23] : memref<131072xi32, #tpu.memory_space<hbm>> -> memref<128xi32, #tpu.memory_space<hbm>>
        %dma_wait3A_54 = tpu.memref_slice %arg3[%multiple_of3A_23] : memref<131072xi32, #tpu.memory_space<hbm>> -> memref<128xi32, #tpu.memory_space<hbm>>
        tpu.wait_dma2 semaphore(%run_scoped3A : memref<!tpu.dma_semaphore, #tpu.memory_space<semaphore_mem>>) src(%dma_wait3A_54 : memref<128xi32, #tpu.memory_space<hbm>>) dst(%arg8 : memref<128xi32, #tpu.memory_space<vmem>>)
        tpu.yield
      }) : () -> ()
      %jit3A = arith.constant 16 : i32
      %div3A = arith.divsi %multiple_of3A_23, %jit3A : i32
      %sign3A = arith.constant 0 : i32
      %sign3A_27 = arith.cmpi sgt, %multiple_of3A_23, %sign3A : i32
      %sign3A_28 = arith.extui %sign3A_27 : i1 to i32
      %sign3A_29 = arith.constant 0 : i32
      %sign3A_30 = arith.cmpi slt, %multiple_of3A_23, %sign3A_29 : i32
      %sign3A_31 = arith.extui %sign3A_30 : i1 to i32
      %sign3A_32 = arith.subi %sign3A_28, %sign3A_31 : i32
      %sign3A_33 = arith.constant 0 : i32
      %sign3A_34 = arith.cmpi sgt, %jit3A, %sign3A_33 : i32
      %sign3A_35 = arith.extui %sign3A_34 : i1 to i32
      %sign3A_36 = arith.constant 0 : i32
      %sign3A_37 = arith.cmpi slt, %jit3A, %sign3A_36 : i32
      %sign3A_38 = arith.extui %sign3A_37 : i1 to i32
      %sign3A_39 = arith.subi %sign3A_35, %sign3A_38 : i32
      %ne3A = arith.cmpi ne, %sign3A_32, %sign3A_39 : i32
      %rem3A = arith.remsi %multiple_of3A_23, %jit3A : i32
      %ne3A_40 = arith.constant 0 : i32
      %ne3A_41 = arith.cmpi ne, %rem3A, %ne3A_40 : i32
      %and3A = arith.andi %ne3A, %ne3A_41 : i1
      %sub3A = arith.constant 1 : i32
      %sub3A_42 = arith.subi %div3A, %sub3A : i32
      %select_n3A = arith.select %and3A, %sub3A_42, %div3A : i32
      %multiple_of3A_43 = tpu.assume_multiple %select_n3A, 8 : i32
      "tpu.region"() ({
        %run_scoped3A = tpu.sem_alloc : memref<!tpu.dma_semaphore, #tpu.memory_space<semaphore_mem>>
        %dma_start3A = arith.constant 0 : i32
        %dma_start3A_53 = tpu.memref_slice %arg9[%dma_start3A] : memref<16xi32, #tpu.memory_space<vmem>> -> memref<8xi32, #tpu.memory_space<vmem>>
        %dma_start3A_54 = tpu.memref_slice %arg4[%multiple_of3A_43] : memref<8192xi32, #tpu.memory_space<hbm>> -> memref<8xi32, #tpu.memory_space<hbm>>
        %dma_start3A_55 = arith.constant 0 : i32
        %dma_start3A_56 = tpu.memref_slice %arg9[%dma_start3A_55] : memref<16xi32, #tpu.memory_space<vmem>> -> memref<8xi32, #tpu.memory_space<vmem>>
        %dma_start3A_57 = tpu.memref_slice %arg4[%multiple_of3A_43] : memref<8192xi32, #tpu.memory_space<hbm>> -> memref<8xi32, #tpu.memory_space<hbm>>
        tpu.enqueue_dma source(%dma_start3A_57 : memref<8xi32, #tpu.memory_space<hbm>>) target(%dma_start3A_56 : memref<8xi32, #tpu.memory_space<vmem>>) target_semaphore(%run_scoped3A : memref<!tpu.dma_semaphore, #tpu.memory_space<semaphore_mem>>)
        %dma_wait3A = arith.constant 0 : i32
        %dma_wait3A_58 = tpu.memref_slice %arg9[%dma_wait3A] : memref<16xi32, #tpu.memory_space<vmem>> -> memref<8xi32, #tpu.memory_space<vmem>>
        %dma_wait3A_59 = tpu.memref_slice %arg4[%multiple_of3A_43] : memref<8192xi32, #tpu.memory_space<hbm>> -> memref<8xi32, #tpu.memory_space<hbm>>
        %dma_wait3A_60 = arith.constant 0 : i32
        %dma_wait3A_61 = tpu.memref_slice %arg9[%dma_wait3A_60] : memref<16xi32, #tpu.memory_space<vmem>> -> memref<8xi32, #tpu.memory_space<vmem>>
        %dma_wait3A_62 = tpu.memref_slice %arg4[%multiple_of3A_43] : memref<8192xi32, #tpu.memory_space<hbm>> -> memref<8xi32, #tpu.memory_space<hbm>>
        tpu.wait_dma2 semaphore(%run_scoped3A : memref<!tpu.dma_semaphore, #tpu.memory_space<semaphore_mem>>) src(%dma_wait3A_62 : memref<8xi32, #tpu.memory_space<hbm>>) dst(%dma_wait3A_61 : memref<8xi32, #tpu.memory_space<vmem>>)
        tpu.yield
      }) : () -> ()
      %scan3A_44 = arith.constant 0 : i32
      %scan3A_45 = arith.constant 8 : i32
      %scan3A_46 = arith.addi %scan3A_44, %scan3A_45 : i32
      %scan3A_47 = arith.constant 1 : i32
      %scan3A_48:2 = scf.for %scan3A_53 = %scan3A_44 to %scan3A_46 step %scan3A_47 iter_args(%scan3A_54 = %scan3A_18, %scan3A_55 = %scan3A_19) -> (vector<16xf32>, vector<16xf32>)  : i32 {
        %mul3A_56 = arith.constant 16 : i32
        %mul3A_57 = arith.muli %mul3A_56, %scan3A_53 : i32
        %multiple_of3A_58 = tpu.assume_multiple %mul3A_57, 16 : i32
        %get3A = arith.index_cast %multiple_of3A_58 : i32 to index
        %get3A_59 = tpu.vector_load %arg8[%get3A] {strides = array<i32>} : memref<128xi32, #tpu.memory_space<vmem>>, vector<16xi32>,
        %add3A_60 = arith.constant 1 : i32
        %add3A_61 = vector.broadcast %add3A_60 : i32 to vector<16xi32>
        %add3A_62 = arith.addi %get3A_59, %add3A_61 : vector<16xi32>
        %mul3A_63 = arith.constant 0 : i32
        %mul3A_64 = vector.broadcast %mul3A_63 : i32 to vector<16xi32>
        %mul3A_65 = arith.muli %iota3A, %mul3A_64 : vector<16xi32>
        %add3A_66 = vector.broadcast %scan3A_53 : i32 to vector<16xi32>
        %add3A_67 = arith.addi %mul3A_65, %add3A_66 : vector<16xi32>
        %gather3A = tpu.vector_load_idx %arg9[%add3A_67] : memref<16xi32, #tpu.memory_space<vmem>>[vector<16xi32>], vector<16xi32>,
        %mul3A_68 = arith.constant 16 : i32
        %mul3A_69 = arith.muli %mul3A_68, %scan3A_53 : i32
        %add3A_70 = vector.broadcast %mul3A_69 : i32 to vector<16xi32>
        %add3A_71 = arith.addi %add3A_70, %iota3A : vector<16xi32>
        %mul3A_72 = arith.constant 257 : i32
        %mul3A_73 = vector.broadcast %mul3A_72 : i32 to vector<16xi32>
        %mul3A_74 = arith.muli %add3A_71, %mul3A_73 : vector<16xi32>
        %eq3A = arith.constant 0 : i32
        %eq3A_75 = vector.broadcast %eq3A : i32 to vector<16xi32>
        %eq3A_76 = arith.cmpi eq, %gather3A, %eq3A_75 : vector<16xi32>
        %lt3A = arith.constant 2 : i32
        %lt3A_77 = vector.broadcast %lt3A : i32 to vector<16xi32>
        %lt3A_78 = arith.cmpi slt, %iota3A, %lt3A_77 : vector<16xi32>
        %and3A_79 = arith.andi %eq3A_76, %lt3A_78 : vector<16xi1>
        %eq3A_80 = arith.constant 1 : i32
        %eq3A_81 = vector.broadcast %eq3A_80 : i32 to vector<16xi32>
        %eq3A_82 = arith.cmpi eq, %gather3A, %eq3A_81 : vector<16xi32>
        %lt3A_83 = arith.constant 4 : i32
        %lt3A_84 = vector.broadcast %lt3A_83 : i32 to vector<16xi32>
        %lt3A_85 = arith.cmpi slt, %iota3A, %lt3A_84 : vector<16xi32>
        %and3A_86 = arith.andi %eq3A_82, %lt3A_85 : vector<16xi1>
        %or3A = arith.ori %and3A_79, %and3A_86 : vector<16xi1>
        %eq3A_87 = arith.constant 2 : i32
        %eq3A_88 = vector.broadcast %eq3A_87 : i32 to vector<16xi32>
        %eq3A_89 = arith.cmpi eq, %gather3A, %eq3A_88 : vector<16xi32>
        %lt3A_90 = arith.constant 2 : i32
        %lt3A_91 = vector.broadcast %lt3A_90 : i32 to vector<16xi32>
        %lt3A_92 = arith.cmpi slt, %iota3A, %lt3A_91 : vector<16xi32>
        %eq3A_93 = arith.constant 4 : i32
        %eq3A_94 = vector.broadcast %eq3A_93 : i32 to vector<16xi32>
        %eq3A_95 = arith.cmpi eq, %iota3A, %eq3A_94 : vector<16xi32>
        %or3A_96 = arith.ori %lt3A_92, %eq3A_95 : vector<16xi1>
        %and3A_97 = arith.andi %eq3A_89, %or3A_96 : vector<16xi1>
        %or3A_98 = arith.ori %or3A, %and3A_97 : vector<16xi1>
        %eq3A_99 = arith.constant 5 : i32
        %eq3A_100 = vector.broadcast %eq3A_99 : i32 to vector<16xi32>
        %eq3A_101 = arith.cmpi eq, %gather3A, %eq3A_100 : vector<16xi32>
        %ge3A = arith.constant 5 : i32
        %ge3A_102 = vector.broadcast %ge3A : i32 to vector<16xi32>
        %ge3A_103 = arith.cmpi sge, %iota3A, %ge3A_102 : vector<16xi32>
        %and3A_104 = arith.andi %eq3A_101, %ge3A_103 : vector<16xi1>
        %or3A_105 = arith.ori %or3A_98, %and3A_104 : vector<16xi1>
        %jit3A_106 = arith.constant 1.000000e+00 : f32
        %jit3A_107 = arith.constant 0.000000e+00 : f32
        %broadcast_in_dim3A_108 = vector.broadcast %jit3A_106 : f32 to vector<16xf32>
        %broadcast_in_dim3A_109 = vector.broadcast %jit3A_107 : f32 to vector<16xf32>
        %select_n3A_110 = arith.select %or3A_105, %broadcast_in_dim3A_108, %broadcast_in_dim3A_109 : vector<16xi1>, vector<16xf32>
        %scan3A_111 = arith.constant 0 : i32
        %scan3A_112 = arith.constant 32 : i32
        %scan3A_113 = arith.addi %scan3A_111, %scan3A_112 : i32
        %scan3A_114 = arith.constant 1 : i32
        %scan3A_115:4 = scf.for %scan3A_309 = %scan3A_111 to %scan3A_113 step %scan3A_114 iter_args(%scan3A_310 = %broadcast_in_dim3A_5, %scan3A_311 = %broadcast_in_dim3A_5, %scan3A_312 = %broadcast_in_dim3A_5, %scan3A_313 = %broadcast_in_dim3A_5) -> (vector<16xf32>, vector<16xf32>, vector<16xf32>, vector<16xf32>)  : i32 {
          %mul3A_314 = arith.constant 8 : i32
          %mul3A_315 = arith.muli %mul3A_314, %scan3A_309 : i32
          %add3A_316 = arith.constant 0 : i32
          %add3A_317 = arith.addi %mul3A_315, %add3A_316 : i32
          %add3A_318 = vector.broadcast %add3A_317 : i32 to vector<16xi32>
          %add3A_319 = arith.addi %mul3A_74, %add3A_318 : vector<16xi32>
          %gather3A_320 = tpu.vector_load_idx %arg7[%add3A_319] : memref<32896xf32, #tpu.memory_space<vmem>>[vector<16xi32>], vector<16xf32>,
          %exp3A_321 = math.exp %gather3A_320 : vector<16xf32>
          %mul3A_322 = arith.constant 8 : i32
          %mul3A_323 = arith.muli %mul3A_322, %scan3A_309 : i32
          %add3A_324 = arith.constant 1 : i32
          %add3A_325 = arith.addi %mul3A_323, %add3A_324 : i32
          %add3A_326 = vector.broadcast %add3A_325 : i32 to vector<16xi32>
          %add3A_327 = arith.addi %mul3A_74, %add3A_326 : vector<16xi32>
          %gather3A_328 = tpu.vector_load_idx %arg7[%add3A_327] : memref<32896xf32, #tpu.memory_space<vmem>>[vector<16xi32>], vector<16xf32>,
          %exp3A_329 = math.exp %gather3A_328 : vector<16xf32>
          %mul3A_330 = arith.constant 8 : i32
          %mul3A_331 = arith.muli %mul3A_330, %scan3A_309 : i32
          %add3A_332 = arith.constant 2 : i32
          %add3A_333 = arith.addi %mul3A_331, %add3A_332 : i32
          %add3A_334 = vector.broadcast %add3A_333 : i32 to vector<16xi32>
          %add3A_335 = arith.addi %mul3A_74, %add3A_334 : vector<16xi32>
          %gather3A_336 = tpu.vector_load_idx %arg7[%add3A_335] : memref<32896xf32, #tpu.memory_space<vmem>>[vector<16xi32>], vector<16xf32>,
          %exp3A_337 = math.exp %gather3A_336 : vector<16xf32>
          %mul3A_338 = arith.constant 8 : i32
          %mul3A_339 = arith.muli %mul3A_338, %scan3A_309 : i32
          %add3A_340 = arith.constant 3 : i32
          %add3A_341 = arith.addi %mul3A_339, %add3A_340 : i32
          %add3A_342 = vector.broadcast %add3A_341 : i32 to vector<16xi32>
          %add3A_343 = arith.addi %mul3A_74, %add3A_342 : vector<16xi32>
          %gather3A_344 = tpu.vector_load_idx %arg7[%add3A_343] : memref<32896xf32, #tpu.memory_space<vmem>>[vector<16xi32>], vector<16xf32>,
          %exp3A_345 = math.exp %gather3A_344 : vector<16xf32>
          %mul3A_346 = arith.constant 8 : i32
          %mul3A_347 = arith.muli %mul3A_346, %scan3A_309 : i32
          %add3A_348 = arith.constant 4 : i32
          %add3A_349 = arith.addi %mul3A_347, %add3A_348 : i32
          %add3A_350 = vector.broadcast %add3A_349 : i32 to vector<16xi32>
          %add3A_351 = arith.addi %mul3A_74, %add3A_350 : vector<16xi32>
          %gather3A_352 = tpu.vector_load_idx %arg7[%add3A_351] : memref<32896xf32, #tpu.memory_space<vmem>>[vector<16xi32>], vector<16xf32>,
          %exp3A_353 = math.exp %gather3A_352 : vector<16xf32>
          %mul3A_354 = arith.constant 8 : i32
          %mul3A_355 = arith.muli %mul3A_354, %scan3A_309 : i32
          %add3A_356 = arith.constant 5 : i32
          %add3A_357 = arith.addi %mul3A_355, %add3A_356 : i32
          %add3A_358 = vector.broadcast %add3A_357 : i32 to vector<16xi32>
          %add3A_359 = arith.addi %mul3A_74, %add3A_358 : vector<16xi32>
          %gather3A_360 = tpu.vector_load_idx %arg7[%add3A_359] : memref<32896xf32, #tpu.memory_space<vmem>>[vector<16xi32>], vector<16xf32>,
          %exp3A_361 = math.exp %gather3A_360 : vector<16xf32>
          %mul3A_362 = arith.constant 8 : i32
          %mul3A_363 = arith.muli %mul3A_362, %scan3A_309 : i32
          %add3A_364 = arith.constant 6 : i32
          %add3A_365 = arith.addi %mul3A_363, %add3A_364 : i32
          %add3A_366 = vector.broadcast %add3A_365 : i32 to vector<16xi32>
          %add3A_367 = arith.addi %mul3A_74, %add3A_366 : vector<16xi32>
          %gather3A_368 = tpu.vector_load_idx %arg7[%add3A_367] : memref<32896xf32, #tpu.memory_space<vmem>>[vector<16xi32>], vector<16xf32>,
          %exp3A_369 = math.exp %gather3A_368 : vector<16xf32>
          %mul3A_370 = arith.constant 8 : i32
          %mul3A_371 = arith.muli %mul3A_370, %scan3A_309 : i32
          %add3A_372 = arith.constant 7 : i32
          %add3A_373 = arith.addi %mul3A_371, %add3A_372 : i32
          %add3A_374 = vector.broadcast %add3A_373 : i32 to vector<16xi32>
          %add3A_375 = arith.addi %mul3A_74, %add3A_374 : vector<16xi32>
          %gather3A_376 = tpu.vector_load_idx %arg7[%add3A_375] : memref<32896xf32, #tpu.memory_space<vmem>>[vector<16xi32>], vector<16xf32>,
          %exp3A_377 = math.exp %gather3A_376 : vector<16xf32>
          %add3A_378 = arith.addf %scan3A_310, %exp3A_321 : vector<16xf32>
          %add3A_379 = arith.addf %add3A_378, %exp3A_353 : vector<16xf32>
          %add3A_380 = arith.addf %scan3A_311, %exp3A_329 : vector<16xf32>
          %add3A_381 = arith.addf %add3A_380, %exp3A_361 : vector<16xf32>
          %add3A_382 = arith.addf %scan3A_312, %exp3A_337 : vector<16xf32>
          %add3A_383 = arith.addf %add3A_382, %exp3A_369 : vector<16xf32>
          %add3A_384 = arith.addf %scan3A_313, %exp3A_345 : vector<16xf32>
          %add3A_385 = arith.addf %add3A_384, %exp3A_377 : vector<16xf32>
          scf.yield %add3A_379, %add3A_381, %add3A_383, %add3A_385 : vector<16xf32>, vector<16xf32>, vector<16xf32>, vector<16xf32>
        }
        %scan3A_116 = arith.constant 32 : i32
        %add3A_117 = arith.constant 256 : i32
        %add3A_118 = vector.broadcast %add3A_117 : i32 to vector<16xi32>
        %add3A_119 = arith.addi %mul3A_74, %add3A_118 : vector<16xi32>
        %gather3A_120 = tpu.vector_load_idx %arg7[%add3A_119] : memref<32896xf32, #tpu.memory_space<vmem>>[vector<16xi32>], vector<16xf32>,
        %add3A_121 = arith.addf %scan3A_115#0, %scan3A_115#1 : vector<16xf32>
        %add3A_122 = arith.addf %add3A_121, %scan3A_115#2 : vector<16xf32>
        %add3A_123 = arith.addf %add3A_122, %scan3A_115#3 : vector<16xf32>
        %exp3A = math.exp %gather3A_120 : vector<16xf32>
        %add3A_124 = arith.addf %add3A_123, %exp3A : vector<16xf32>
        %add3A_125 = arith.constant -3 : i32
        %add3A_126 = vector.broadcast %add3A_125 : i32 to vector<16xi32>
        %add3A_127 = arith.addi %add3A_62, %add3A_126 : vector<16xi32>
        %jit3A_128 = arith.constant 0 : i32
        %jit3A_129 = arith.constant 256 : i32
        %max3A = vector.broadcast %jit3A_128 : i32 to vector<16xi32>
        %max3A_130 = arith.maxsi %max3A, %add3A_127 : vector<16xi32>
        %min3A = vector.broadcast %jit3A_129 : i32 to vector<16xi32>
        %min3A_131 = arith.minsi %min3A, %max3A_130 : vector<16xi32>
        %ge3A_132 = arith.constant 0 : i32
        %ge3A_133 = vector.broadcast %ge3A_132 : i32 to vector<16xi32>
        %ge3A_134 = arith.cmpi sge, %add3A_127, %ge3A_133 : vector<16xi32>
        %le3A = arith.constant 255 : i32
        %le3A_135 = vector.broadcast %le3A : i32 to vector<16xi32>
        %le3A_136 = arith.cmpi sle, %add3A_127, %le3A_135 : vector<16xi32>
        %and3A_137 = arith.andi %ge3A_134, %le3A_136 : vector<16xi1>
        %jit3A_138 = arith.constant 0.00247875229 : f32
        %jit3A_139 = arith.constant 0.000000e+00 : f32
        %broadcast_in_dim3A_140 = vector.broadcast %jit3A_138 : f32 to vector<16xf32>
        %broadcast_in_dim3A_141 = vector.broadcast %jit3A_139 : f32 to vector<16xf32>
        %select_n3A_142 = arith.select %and3A_137, %broadcast_in_dim3A_140, %broadcast_in_dim3A_141 : vector<16xi1>, vector<16xf32>
        %add3A_143 = arith.addi %mul3A_74, %min3A_131 : vector<16xi32>
        %gather3A_144 = tpu.vector_load_idx %arg7[%add3A_143] : memref<32896xf32, #tpu.memory_space<vmem>>[vector<16xi32>], vector<16xf32>,
        %mul3A_145 = arith.mulf %select_n3A_142, %gather3A_144 : vector<16xf32>
        %add3A_146 = arith.addf %broadcast_in_dim3A_5, %mul3A_145 : vector<16xf32>
        %add3A_147 = arith.addf %broadcast_in_dim3A_5, %select_n3A_142 : vector<16xf32>
        %add3A_148 = arith.constant -2 : i32
        %add3A_149 = vector.broadcast %add3A_148 : i32 to vector<16xi32>
        %add3A_150 = arith.addi %add3A_62, %add3A_149 : vector<16xi32>
        %jit3A_151 = arith.constant 0 : i32
        %jit3A_152 = arith.constant 256 : i32
        %max3A_153 = vector.broadcast %jit3A_151 : i32 to vector<16xi32>
        %max3A_154 = arith.maxsi %max3A_153, %add3A_150 : vector<16xi32>
        %min3A_155 = vector.broadcast %jit3A_152 : i32 to vector<16xi32>
        %min3A_156 = arith.minsi %min3A_155, %max3A_154 : vector<16xi32>
        %ge3A_157 = arith.constant 0 : i32
        %ge3A_158 = vector.broadcast %ge3A_157 : i32 to vector<16xi32>
        %ge3A_159 = arith.cmpi sge, %add3A_150, %ge3A_158 : vector<16xi32>
        %le3A_160 = arith.constant 255 : i32
        %le3A_161 = vector.broadcast %le3A_160 : i32 to vector<16xi32>
        %le3A_162 = arith.cmpi sle, %add3A_150, %le3A_161 : vector<16xi32>
        %and3A_163 = arith.andi %ge3A_159, %le3A_162 : vector<16xi1>
        %jit3A_164 = arith.constant 0.0183156393 : f32
        %jit3A_165 = arith.constant 0.000000e+00 : f32
        %broadcast_in_dim3A_166 = vector.broadcast %jit3A_164 : f32 to vector<16xf32>
        %broadcast_in_dim3A_167 = vector.broadcast %jit3A_165 : f32 to vector<16xf32>
        %select_n3A_168 = arith.select %and3A_163, %broadcast_in_dim3A_166, %broadcast_in_dim3A_167 : vector<16xi1>, vector<16xf32>
        %add3A_169 = arith.addi %mul3A_74, %min3A_156 : vector<16xi32>
        %gather3A_170 = tpu.vector_load_idx %arg7[%add3A_169] : memref<32896xf32, #tpu.memory_space<vmem>>[vector<16xi32>], vector<16xf32>,
        %mul3A_171 = arith.mulf %select_n3A_168, %gather3A_170 : vector<16xf32>
        %add3A_172 = arith.addf %add3A_146, %mul3A_171 : vector<16xf32>
        %add3A_173 = arith.addf %add3A_147, %select_n3A_168 : vector<16xf32>
        %add3A_174 = arith.constant -1 : i32
        %add3A_175 = vector.broadcast %add3A_174 : i32 to vector<16xi32>
        %add3A_176 = arith.addi %add3A_62, %add3A_175 : vector<16xi32>
        %jit3A_177 = arith.constant 0 : i32
        %jit3A_178 = arith.constant 256 : i32
        %max3A_179 = vector.broadcast %jit3A_177 : i32 to vector<16xi32>
        %max3A_180 = arith.maxsi %max3A_179, %add3A_176 : vector<16xi32>
        %min3A_181 = vector.broadcast %jit3A_178 : i32 to vector<16xi32>
        %min3A_182 = arith.minsi %min3A_181, %max3A_180 : vector<16xi32>
        %ge3A_183 = arith.constant 0 : i32
        %ge3A_184 = vector.broadcast %ge3A_183 : i32 to vector<16xi32>
        %ge3A_185 = arith.cmpi sge, %add3A_176, %ge3A_184 : vector<16xi32>
        %le3A_186 = arith.constant 255 : i32
        %le3A_187 = vector.broadcast %le3A_186 : i32 to vector<16xi32>
        %le3A_188 = arith.cmpi sle, %add3A_176, %le3A_187 : vector<16xi32>
        %and3A_189 = arith.andi %ge3A_185, %le3A_188 : vector<16xi1>
        %jit3A_190 = arith.constant 0.135335281 : f32
        %jit3A_191 = arith.constant 0.000000e+00 : f32
        %broadcast_in_dim3A_192 = vector.broadcast %jit3A_190 : f32 to vector<16xf32>
        %broadcast_in_dim3A_193 = vector.broadcast %jit3A_191 : f32 to vector<16xf32>
        %select_n3A_194 = arith.select %and3A_189, %broadcast_in_dim3A_192, %broadcast_in_dim3A_193 : vector<16xi1>, vector<16xf32>
        %add3A_195 = arith.addi %mul3A_74, %min3A_182 : vector<16xi32>
        %gather3A_196 = tpu.vector_load_idx %arg7[%add3A_195] : memref<32896xf32, #tpu.memory_space<vmem>>[vector<16xi32>], vector<16xf32>,
        %mul3A_197 = arith.mulf %select_n3A_194, %gather3A_196 : vector<16xf32>
        %add3A_198 = arith.addf %add3A_172, %mul3A_197 : vector<16xf32>
        %add3A_199 = arith.addf %add3A_173, %select_n3A_194 : vector<16xf32>
        %add3A_200 = arith.constant 0 : i32
        %add3A_201 = vector.broadcast %add3A_200 : i32 to vector<16xi32>
        %add3A_202 = arith.addi %add3A_62, %add3A_201 : vector<16xi32>
        %jit3A_203 = arith.constant 0 : i32
        %jit3A_204 = arith.constant 256 : i32
        %max3A_205 = vector.broadcast %jit3A_203 : i32 to vector<16xi32>
        %max3A_206 = arith.maxsi %max3A_205, %add3A_202 : vector<16xi32>
        %min3A_207 = vector.broadcast %jit3A_204 : i32 to vector<16xi32>
        %min3A_208 = arith.minsi %min3A_207, %max3A_206 : vector<16xi32>
        %ge3A_209 = arith.constant 0 : i32
        %ge3A_210 = vector.broadcast %ge3A_209 : i32 to vector<16xi32>
        %ge3A_211 = arith.cmpi sge, %add3A_202, %ge3A_210 : vector<16xi32>
        %le3A_212 = arith.constant 255 : i32
        %le3A_213 = vector.broadcast %le3A_212 : i32 to vector<16xi32>
        %le3A_214 = arith.cmpi sle, %add3A_202, %le3A_213 : vector<16xi32>
        %and3A_215 = arith.andi %ge3A_211, %le3A_214 : vector<16xi1>
        %jit3A_216 = arith.constant 1.000000e+00 : f32
        %jit3A_217 = arith.constant 0.000000e+00 : f32
        %broadcast_in_dim3A_218 = vector.broadcast %jit3A_216 : f32 to vector<16xf32>
        %broadcast_in_dim3A_219 = vector.broadcast %jit3A_217 : f32 to vector<16xf32>
        %select_n3A_220 = arith.select %and3A_215, %broadcast_in_dim3A_218, %broadcast_in_dim3A_219 : vector<16xi1>, vector<16xf32>
        %add3A_221 = arith.addi %mul3A_74, %min3A_208 : vector<16xi32>
        %gather3A_222 = tpu.vector_load_idx %arg7[%add3A_221] : memref<32896xf32, #tpu.memory_space<vmem>>[vector<16xi32>], vector<16xf32>,
        %mul3A_223 = arith.mulf %select_n3A_220, %gather3A_222 : vector<16xf32>
        %add3A_224 = arith.addf %add3A_198, %mul3A_223 : vector<16xf32>
        %add3A_225 = arith.addf %add3A_199, %select_n3A_220 : vector<16xf32>
        %add3A_226 = arith.constant 1 : i32
        %add3A_227 = vector.broadcast %add3A_226 : i32 to vector<16xi32>
        %add3A_228 = arith.addi %add3A_62, %add3A_227 : vector<16xi32>
        %jit3A_229 = arith.constant 0 : i32
        %jit3A_230 = arith.constant 256 : i32
        %max3A_231 = vector.broadcast %jit3A_229 : i32 to vector<16xi32>
        %max3A_232 = arith.maxsi %max3A_231, %add3A_228 : vector<16xi32>
        %min3A_233 = vector.broadcast %jit3A_230 : i32 to vector<16xi32>
        %min3A_234 = arith.minsi %min3A_233, %max3A_232 : vector<16xi32>
        %ge3A_235 = arith.constant 0 : i32
        %ge3A_236 = vector.broadcast %ge3A_235 : i32 to vector<16xi32>
        %ge3A_237 = arith.cmpi sge, %add3A_228, %ge3A_236 : vector<16xi32>
        %le3A_238 = arith.constant 255 : i32
        %le3A_239 = vector.broadcast %le3A_238 : i32 to vector<16xi32>
        %le3A_240 = arith.cmpi sle, %add3A_228, %le3A_239 : vector<16xi32>
        %and3A_241 = arith.andi %ge3A_237, %le3A_240 : vector<16xi1>
        %jit3A_242 = arith.constant 0.135335281 : f32
        %jit3A_243 = arith.constant 0.000000e+00 : f32
        %broadcast_in_dim3A_244 = vector.broadcast %jit3A_242 : f32 to vector<16xf32>
        %broadcast_in_dim3A_245 = vector.broadcast %jit3A_243 : f32 to vector<16xf32>
        %select_n3A_246 = arith.select %and3A_241, %broadcast_in_dim3A_244, %broadcast_in_dim3A_245 : vector<16xi1>, vector<16xf32>
        %add3A_247 = arith.addi %mul3A_74, %min3A_234 : vector<16xi32>
        %gather3A_248 = tpu.vector_load_idx %arg7[%add3A_247] : memref<32896xf32, #tpu.memory_space<vmem>>[vector<16xi32>], vector<16xf32>,
        %mul3A_249 = arith.mulf %select_n3A_246, %gather3A_248 : vector<16xf32>
        %add3A_250 = arith.addf %add3A_224, %mul3A_249 : vector<16xf32>
        %add3A_251 = arith.addf %add3A_225, %select_n3A_246 : vector<16xf32>
        %add3A_252 = arith.constant 2 : i32
        %add3A_253 = vector.broadcast %add3A_252 : i32 to vector<16xi32>
        %add3A_254 = arith.addi %add3A_62, %add3A_253 : vector<16xi32>
        %jit3A_255 = arith.constant 0 : i32
        %jit3A_256 = arith.constant 256 : i32
        %max3A_257 = vector.broadcast %jit3A_255 : i32 to vector<16xi32>
        %max3A_258 = arith.maxsi %max3A_257, %add3A_254 : vector<16xi32>
        %min3A_259 = vector.broadcast %jit3A_256 : i32 to vector<16xi32>
        %min3A_260 = arith.minsi %min3A_259, %max3A_258 : vector<16xi32>
        %ge3A_261 = arith.constant 0 : i32
        %ge3A_262 = vector.broadcast %ge3A_261 : i32 to vector<16xi32>
        %ge3A_263 = arith.cmpi sge, %add3A_254, %ge3A_262 : vector<16xi32>
        %le3A_264 = arith.constant 255 : i32
        %le3A_265 = vector.broadcast %le3A_264 : i32 to vector<16xi32>
        %le3A_266 = arith.cmpi sle, %add3A_254, %le3A_265 : vector<16xi32>
        %and3A_267 = arith.andi %ge3A_263, %le3A_266 : vector<16xi1>
        %jit3A_268 = arith.constant 0.0183156393 : f32
        %jit3A_269 = arith.constant 0.000000e+00 : f32
        %broadcast_in_dim3A_270 = vector.broadcast %jit3A_268 : f32 to vector<16xf32>
        %broadcast_in_dim3A_271 = vector.broadcast %jit3A_269 : f32 to vector<16xf32>
        %select_n3A_272 = arith.select %and3A_267, %broadcast_in_dim3A_270, %broadcast_in_dim3A_271 : vector<16xi1>, vector<16xf32>
        %add3A_273 = arith.addi %mul3A_74, %min3A_260 : vector<16xi32>
        %gather3A_274 = tpu.vector_load_idx %arg7[%add3A_273] : memref<32896xf32, #tpu.memory_space<vmem>>[vector<16xi32>], vector<16xf32>,
        %mul3A_275 = arith.mulf %select_n3A_272, %gather3A_274 : vector<16xf32>
        %add3A_276 = arith.addf %add3A_250, %mul3A_275 : vector<16xf32>
        %add3A_277 = arith.addf %add3A_251, %select_n3A_272 : vector<16xf32>
        %add3A_278 = arith.constant 3 : i32
        %add3A_279 = vector.broadcast %add3A_278 : i32 to vector<16xi32>
        %add3A_280 = arith.addi %add3A_62, %add3A_279 : vector<16xi32>
        %jit3A_281 = arith.constant 0 : i32
        %jit3A_282 = arith.constant 256 : i32
        %max3A_283 = vector.broadcast %jit3A_281 : i32 to vector<16xi32>
        %max3A_284 = arith.maxsi %max3A_283, %add3A_280 : vector<16xi32>
        %min3A_285 = vector.broadcast %jit3A_282 : i32 to vector<16xi32>
        %min3A_286 = arith.minsi %min3A_285, %max3A_284 : vector<16xi32>
        %ge3A_287 = arith.constant 0 : i32
        %ge3A_288 = vector.broadcast %ge3A_287 : i32 to vector<16xi32>
        %ge3A_289 = arith.cmpi sge, %add3A_280, %ge3A_288 : vector<16xi32>
        %jit3A_290 = arith.constant 0.00247875229 : f32
        %jit3A_291 = arith.constant 0.000000e+00 : f32
        %broadcast_in_dim3A_292 = vector.broadcast %jit3A_290 : f32 to vector<16xf32>
        %broadcast_in_dim3A_293 = vector.broadcast %jit3A_291 : f32 to vector<16xf32>
        %select_n3A_294 = arith.select %ge3A_289, %broadcast_in_dim3A_292, %broadcast_in_dim3A_293 : vector<16xi1>, vector<16xf32>
        %add3A_295 = arith.addi %mul3A_74, %min3A_286 : vector<16xi32>
        %gather3A_296 = tpu.vector_load_idx %arg7[%add3A_295] : memref<32896xf32, #tpu.memory_space<vmem>>[vector<16xi32>], vector<16xf32>,
        %mul3A_297 = arith.mulf %select_n3A_294, %gather3A_296 : vector<16xf32>
        %add3A_298 = arith.addf %add3A_276, %mul3A_297 : vector<16xf32>
        %add3A_299 = arith.addf %add3A_277, %select_n3A_294 : vector<16xf32>
        %jit3A_300 = arith.constant 1.000000e+00 : f32
        %broadcast_in_dim3A_301 = vector.broadcast %jit3A_300 : f32 to vector<16xf32>
        %select_n3A_302 = arith.select %or3A_105, %add3A_124, %broadcast_in_dim3A_301 : vector<16xi1>, vector<16xf32>
        %swap3A_303 = arith.index_cast %multiple_of3A_58 : i32 to index
        %swap3A_304 = tpu.vector_load %arg10[%swap3A_303] {strides = array<i32>} : memref<128xf32, #tpu.memory_space<vmem>>, vector<16xf32>,
        tpu.vector_store %arg10[%swap3A_303], %select_n3A_302 {strides = array<i32>} : memref<128xf32, #tpu.memory_space<vmem>>, vector<16xf32>,
        %div3A_305 = arith.divf %add3A_298, %add3A_299 : vector<16xf32>
        %mul3A_306 = arith.mulf %select_n3A_110, %div3A_305 : vector<16xf32>
        %add3A_307 = arith.addf %scan3A_54, %mul3A_306 : vector<16xf32>
        %add3A_308 = arith.addf %scan3A_55, %select_n3A_110 : vector<16xf32>
        scf.yield %add3A_307, %add3A_308 : vector<16xf32>, vector<16xf32>
      }
      %scan3A_49 = arith.constant 8 : i32
      %sub3A_50 = arith.constant 65536 : i32
      %sub3A_51 = arith.subi %multiple_of3A_23, %sub3A_50 : i32
      %multiple_of3A_52 = tpu.assume_multiple %sub3A_51, 8 : i32
      "tpu.region"() ({
        %run_scoped3A = tpu.sem_alloc : memref<!tpu.dma_semaphore, #tpu.memory_space<semaphore_mem>>
        %dma_start3A = tpu.memref_slice %arg5[%multiple_of3A_52] : memref<65536xf32, #tpu.memory_space<hbm>> -> memref<128xf32, #tpu.memory_space<hbm>>
        %dma_start3A_53 = tpu.memref_slice %arg5[%multiple_of3A_52] : memref<65536xf32, #tpu.memory_space<hbm>> -> memref<128xf32, #tpu.memory_space<hbm>>
        tpu.enqueue_dma source(%arg10 : memref<128xf32, #tpu.memory_space<vmem>>) target(%dma_start3A_53 : memref<128xf32, #tpu.memory_space<hbm>>) target_semaphore(%run_scoped3A : memref<!tpu.dma_semaphore, #tpu.memory_space<semaphore_mem>>)
        %dma_wait3A = tpu.memref_slice %arg5[%multiple_of3A_52] : memref<65536xf32, #tpu.memory_space<hbm>> -> memref<128xf32, #tpu.memory_space<hbm>>
        %dma_wait3A_54 = tpu.memref_slice %arg5[%multiple_of3A_52] : memref<65536xf32, #tpu.memory_space<hbm>> -> memref<128xf32, #tpu.memory_space<hbm>>
        tpu.wait_dma2 semaphore(%run_scoped3A : memref<!tpu.dma_semaphore, #tpu.memory_space<semaphore_mem>>) src(%arg10 : memref<128xf32, #tpu.memory_space<vmem>>) dst(%dma_wait3A_54 : memref<128xf32, #tpu.memory_space<hbm>>)
        tpu.yield
      }) : () -> ()
      scf.yield %scan3A_48#0, %scan3A_48#1 : vector<16xf32>, vector<16xf32>
    }
    %scan3A_10 = arith.constant 16 : i32
    %swap3A = arith.constant 0 : index
    %swap3A_11 = tpu.vector_load %arg11[%swap3A] {strides = array<i32>} : memref<32xf32, #tpu.memory_space<vmem>>, vector<16xf32>,
    tpu.vector_store %arg11[%swap3A], %scan3A_9#0 {strides = array<i32>} : memref<32xf32, #tpu.memory_space<vmem>>, vector<16xf32>,
    %swap3A_12 = arith.constant 16 : index
    %swap3A_13 = tpu.vector_load %arg11[%swap3A_12] {strides = array<i32>} : memref<32xf32, #tpu.memory_space<vmem>>, vector<16xf32>,
    tpu.vector_store %arg11[%swap3A_12], %scan3A_9#1 {strides = array<i32>} : memref<32xf32, #tpu.memory_space<vmem>>, vector<16xf32>,
    %mul3A_14 = arith.constant 32 : i32
    %mul3A_15 = arith.muli %add3A, %mul3A_14 : i32
    %multiple_of3A_16 = tpu.assume_multiple %mul3A_15, 8 : i32
    "tpu.region"() ({
      %run_scoped3A = tpu.sem_alloc : memref<!tpu.dma_semaphore, #tpu.memory_space<semaphore_mem>>
      %dma_start3A = tpu.memref_slice %arg6[%multiple_of3A_16] : memref<1024xf32, #tpu.memory_space<hbm>> -> memref<32xf32, #tpu.memory_space<hbm>>
      %dma_start3A_17 = tpu.memref_slice %arg6[%multiple_of3A_16] : memref<1024xf32, #tpu.memory_space<hbm>> -> memref<32xf32, #tpu.memory_space<hbm>>
      tpu.enqueue_dma source(%arg11 : memref<32xf32, #tpu.memory_space<vmem>>) target(%dma_start3A_17 : memref<32xf32, #tpu.memory_space<hbm>>) target_semaphore(%run_scoped3A : memref<!tpu.dma_semaphore, #tpu.memory_space<semaphore_mem>>)
      %dma_wait3A = tpu.memref_slice %arg6[%multiple_of3A_16] : memref<1024xf32, #tpu.memory_space<hbm>> -> memref<32xf32, #tpu.memory_space<hbm>>
      %dma_wait3A_18 = tpu.memref_slice %arg6[%multiple_of3A_16] : memref<1024xf32, #tpu.memory_space<hbm>> -> memref<32xf32, #tpu.memory_space<hbm>>
      tpu.wait_dma2 semaphore(%run_scoped3A : memref<!tpu.dma_semaphore, #tpu.memory_space<semaphore_mem>>) src(%arg11 : memref<32xf32, #tpu.memory_space<vmem>>) dst(%dma_wait3A_18 : memref<32xf32, #tpu.memory_space<hbm>>)
      tpu.yield
    }) : () -> ()
    return
  }
}

module attributes {stable_mosaic.version = 14 : i64} {
  func.func @_tc_body(%arg0: i32, %arg1: memref<4x64x16xi32, #tpu.memory_space<vmem>>, %arg2: memref<1x4x64xi32, #tpu.memory_space<vmem>>, %arg3: memref<1x8x64xi32, #tpu.memory_space<vmem>>, %arg4: memref<8x64x6xf32, #tpu.memory_space<vmem>>, %arg5: memref<4x64x16x257xf32, #tpu.memory_space<vmem>>, %arg6: memref<1x4xf32, #tpu.memory_space<smem>>, %arg7: memref<4xf32, #tpu.memory_space<smem>>) attributes {dimension_semantics = [#tpu.dimension_semantics<arbitrary>], iteration_bounds = array<i64: 16>, scalar_prefetch = 0 : i64, scratch_operands = 1 : i64, tpu.core_type = #tpu.core_type<tc>, window_params = [{transform_indices = @transform_0, window_bounds = array<i64: 4, 64, 16>}, {transform_indices = @transform_1, window_bounds = array<i64: 1, 4, 64>}, {transform_indices = @transform_2, window_bounds = array<i64: 1, 8, 64>}, {transform_indices = @transform_3, window_bounds = array<i64: 8, 64, 6>}, {transform_indices = @transform_4, window_bounds = array<i64: 4, 64, 16, 257>}, {transform_indices = @transform_5, window_bounds = array<i64: 1, 4>}]} {
    %get3A = arith.constant 0 : index
    %get3A_0 = arith.constant 0 : index
    %get3A_1 = arith.constant 0 : index
    %get3A_2 = arith.constant 0 : index
    %get3A_3 = vector.load %arg5[%get3A, %get3A_0, %get3A_1, %get3A_2] : memref<4x64x16x257xf32, #tpu.memory_space<vmem>>, vector<4x64x16x257xf32>
    %get3A_4 = arith.constant 0 : index
    %get3A_5 = arith.constant 0 : index
    %get3A_6 = arith.constant 0 : index
    %get3A_7 = vector.load %arg1[%get3A_4, %get3A_5, %get3A_6] : memref<4x64x16xi32, #tpu.memory_space<vmem>>, vector<4x64x16xi32>
    %add3A = arith.constant 1 : i32
    %add3A_8 = vector.broadcast %add3A : i32 to vector<4x64x16xi32>
    %add3A_9 = arith.addi %get3A_7, %add3A_8 : vector<4x64x16xi32>
    %exp3A = math.exp %get3A_3 : vector<4x64x16x257xf32>
    %reduce_sum3A = arith.constant dense<0.000000e+00> : vector<4x64x16xf32>
    %reduce_sum3A_10 = vector.multi_reduction <add>, %exp3A, %reduce_sum3A [3] : vector<4x64x16x257xf32> to vector<4x64x16xf32>
    %iota3A = tpu.iota {dimensions = array<i32: 3>} : vector<4x64x16x257xi32>
    %broadcast_in_dim3A = vector.shape_cast %add3A_9 : vector<4x64x16xi32> to vector<4x64x16x1xi32>
    %sub3A = vector.broadcast %broadcast_in_dim3A : vector<4x64x16x1xi32> to vector<4x64x16x257xi32>
    %sub3A_11 = arith.subi %iota3A, %sub3A : vector<4x64x16x257xi32>
    %abs3A = math.absi %sub3A_11 : vector<4x64x16x257xi32>
    %le3A = arith.constant 3 : i32
    %le3A_12 = vector.broadcast %le3A : i32 to vector<4x64x16x257xi32>
    %le3A_13 = arith.cmpi sle, %abs3A, %le3A_12 : vector<4x64x16x257xi32>
    %convert_element_type3A = arith.sitofp %abs3A : vector<4x64x16x257xi32> to vector<4x64x16x257xf32>
    %mul3A = arith.constant -2.000000e+00 : f32
    %mul3A_14 = vector.broadcast %mul3A : f32 to vector<4x64x16x257xf32>
    %mul3A_15 = arith.mulf %mul3A_14, %convert_element_type3A : vector<4x64x16x257xf32>
    %exp3A_16 = math.exp %mul3A_15 : vector<4x64x16x257xf32>
    %jit3A = arith.constant 0.000000e+00 : f32
    %broadcast_in_dim3A_17 = vector.broadcast %jit3A : f32 to vector<4x64x16x257xf32>
    %select_n3A = arith.select %le3A_13, %exp3A_16, %broadcast_in_dim3A_17 : vector<4x64x16x257xi1>, vector<4x64x16x257xf32>
    %reduce_sum3A_18 = arith.constant dense<0.000000e+00> : vector<4x64x16xf32>
    %reduce_sum3A_19 = vector.multi_reduction <add>, %select_n3A, %reduce_sum3A_18 [3] : vector<4x64x16x257xf32> to vector<4x64x16xf32>
    %mul3A_20 = arith.mulf %select_n3A, %get3A_3 : vector<4x64x16x257xf32>
    %reduce_sum3A_21 = arith.constant dense<0.000000e+00> : vector<4x64x16xf32>
    %reduce_sum3A_22 = vector.multi_reduction <add>, %mul3A_20, %reduce_sum3A_21 [3] : vector<4x64x16x257xf32> to vector<4x64x16xf32>
    %convert_element_type3A_23 = arith.sitofp %add3A_9 : vector<4x64x16xi32> to vector<4x64x16xf32>
    %ge3A = arith.constant 253 : i32
    %ge3A_24 = vector.broadcast %ge3A : i32 to vector<4x64x16xi32>
    %ge3A_25 = arith.cmpi sge, %add3A_9, %ge3A_24 : vector<4x64x16xi32>
    %sub3A_26 = arith.constant 2.560000e+02 : f32
    %sub3A_27 = vector.broadcast %sub3A_26 : f32 to vector<4x64x16xf32>
    %sub3A_28 = arith.subf %sub3A_27, %convert_element_type3A_23 : vector<4x64x16xf32>
    %mul3A_29 = arith.constant -2.000000e+00 : f32
    %mul3A_30 = vector.broadcast %mul3A_29 : f32 to vector<4x64x16xf32>
    %mul3A_31 = arith.mulf %mul3A_30, %sub3A_28 : vector<4x64x16xf32>
    %exp3A_32 = math.exp %mul3A_31 : vector<4x64x16xf32>
    %sub3A_33 = arith.constant 0.00247875229 : f32
    %sub3A_34 = vector.broadcast %sub3A_33 : f32 to vector<4x64x16xf32>
    %sub3A_35 = arith.subf %sub3A_34, %exp3A_32 : vector<4x64x16xf32>
    %jit3A_36 = arith.constant 0.000000e+00 : f32
    %broadcast_in_dim3A_37 = vector.broadcast %jit3A_36 : f32 to vector<4x64x16xf32>
    %select_n3A_38 = arith.select %ge3A_25, %sub3A_35, %broadcast_in_dim3A_37 : vector<4x64x16xi1>, vector<4x64x16xf32>
    %add3A_39 = arith.addf %reduce_sum3A_19, %select_n3A_38 : vector<4x64x16xf32>
    %slice3A = vector.extract_strided_slice %get3A_3 {offsets = [0, 0, 0, 256], sizes = [4, 64, 16, 1], strides = [1, 1, 1, 1]} : vector<4x64x16x257xf32> to vector<4x64x16x1xf32>
    %squeeze3A = vector.shape_cast %slice3A : vector<4x64x16x1xf32> to vector<4x64x16xf32>
    %mul3A_40 = arith.mulf %select_n3A_38, %squeeze3A : vector<4x64x16xf32>
    %add3A_41 = arith.addf %reduce_sum3A_22, %mul3A_40 : vector<4x64x16xf32>
    %get3A_42 = arith.constant 0 : index
    %get3A_43 = arith.constant 0 : index
    %get3A_44 = arith.constant 0 : index
    %get3A_45 = vector.load %arg2[%get3A_42, %get3A_43, %get3A_44] : memref<1x4x64xi32, #tpu.memory_space<vmem>>, vector<1x4x64xi32>
    %squeeze3A_46 = vector.shape_cast %get3A_45 : vector<1x4x64xi32> to vector<4x64xi32>
    %broadcast_in_dim3A_47 = vector.shape_cast %squeeze3A_46 : vector<4x64xi32> to vector<4x64x1xi32>
    %iota3A_48 = tpu.iota {dimensions = array<i32: 2>} : vector<4x64x16xi32>
    %eq3A = arith.constant 0 : i32
    %eq3A_49 = vector.broadcast %eq3A : i32 to vector<4x64x1xi32>
    %eq3A_50 = arith.cmpi eq, %broadcast_in_dim3A_47, %eq3A_49 : vector<4x64x1xi32>
    %lt3A = arith.constant 2 : i32
    %lt3A_51 = vector.broadcast %lt3A : i32 to vector<4x64x16xi32>
    %lt3A_52 = arith.cmpi slt, %iota3A_48, %lt3A_51 : vector<4x64x16xi32>
    %and3A = vector.broadcast %eq3A_50 : vector<4x64x1xi1> to vector<4x64x16xi1>
    %and3A_53 = arith.andi %and3A, %lt3A_52 : vector<4x64x16xi1>
    %eq3A_54 = arith.constant 1 : i32
    %eq3A_55 = vector.broadcast %eq3A_54 : i32 to vector<4x64x1xi32>
    %eq3A_56 = arith.cmpi eq, %broadcast_in_dim3A_47, %eq3A_55 : vector<4x64x1xi32>
    %lt3A_57 = arith.constant 4 : i32
    %lt3A_58 = vector.broadcast %lt3A_57 : i32 to vector<4x64x16xi32>
    %lt3A_59 = arith.cmpi slt, %iota3A_48, %lt3A_58 : vector<4x64x16xi32>
    %and3A_60 = vector.broadcast %eq3A_56 : vector<4x64x1xi1> to vector<4x64x16xi1>
    %and3A_61 = arith.andi %and3A_60, %lt3A_59 : vector<4x64x16xi1>
    %or3A = arith.ori %and3A_53, %and3A_61 : vector<4x64x16xi1>
    %eq3A_62 = arith.constant 2 : i32
    %eq3A_63 = vector.broadcast %eq3A_62 : i32 to vector<4x64x1xi32>
    %eq3A_64 = arith.cmpi eq, %broadcast_in_dim3A_47, %eq3A_63 : vector<4x64x1xi32>
    %lt3A_65 = arith.constant 2 : i32
    %lt3A_66 = vector.broadcast %lt3A_65 : i32 to vector<4x64x16xi32>
    %lt3A_67 = arith.cmpi slt, %iota3A_48, %lt3A_66 : vector<4x64x16xi32>
    %eq3A_68 = arith.constant 4 : i32
    %eq3A_69 = vector.broadcast %eq3A_68 : i32 to vector<4x64x16xi32>
    %eq3A_70 = arith.cmpi eq, %iota3A_48, %eq3A_69 : vector<4x64x16xi32>
    %or3A_71 = arith.ori %lt3A_67, %eq3A_70 : vector<4x64x16xi1>
    %and3A_72 = vector.broadcast %eq3A_64 : vector<4x64x1xi1> to vector<4x64x16xi1>
    %and3A_73 = arith.andi %and3A_72, %or3A_71 : vector<4x64x16xi1>
    %or3A_74 = arith.ori %or3A, %and3A_73 : vector<4x64x16xi1>
    %eq3A_75 = arith.constant 5 : i32
    %eq3A_76 = vector.broadcast %eq3A_75 : i32 to vector<4x64x1xi32>
    %eq3A_77 = arith.cmpi eq, %broadcast_in_dim3A_47, %eq3A_76 : vector<4x64x1xi32>
    %ge3A_78 = arith.constant 5 : i32
    %ge3A_79 = vector.broadcast %ge3A_78 : i32 to vector<4x64x16xi32>
    %ge3A_80 = arith.cmpi sge, %iota3A_48, %ge3A_79 : vector<4x64x16xi32>
    %and3A_81 = vector.broadcast %eq3A_77 : vector<4x64x1xi1> to vector<4x64x16xi1>
    %and3A_82 = arith.andi %and3A_81, %ge3A_80 : vector<4x64x16xi1>
    %or3A_83 = arith.ori %or3A_74, %and3A_82 : vector<4x64x16xi1>
    %convert_element_type3A_84 = arith.extui %or3A_83 : vector<4x64x16xi1> to vector<4x64x16xi32>
    %convert_element_type3A_85 = arith.sitofp %convert_element_type3A_84 : vector<4x64x16xi32> to vector<4x64x16xf32>
    %log3A = math.log %reduce_sum3A_10 : vector<4x64x16xf32>
    %div3A = arith.divf %add3A_41, %add3A_39 : vector<4x64x16xf32>
    %sub3A_86 = arith.subf %log3A, %div3A : vector<4x64x16xf32>
    %mul3A_87 = arith.mulf %convert_element_type3A_85, %sub3A_86 : vector<4x64x16xf32>
    %reduce_sum3A_88 = vector.shape_cast %mul3A_87 : vector<4x64x16xf32> to vector<1x4x64x16xf32>
    %reduce_sum3A_89 = arith.constant dense<0.000000e+00> : vector<1xf32>
    %reduce_sum3A_90 = vector.multi_reduction <add>, %reduce_sum3A_88, %reduce_sum3A_89 [1, 2, 3] : vector<1x4x64x16xf32> to vector<1xf32>
    %reduce_sum3A_91 = vector.shape_cast %reduce_sum3A_90 : vector<1xf32> to vector<1x1x1x1xf32>
    %reduce_sum3A_92 = vector.extract %reduce_sum3A_91[0, 0, 0, 0] : f32 from vector<1x1x1x1xf32>
    %reduce_sum3A_93 = vector.shape_cast %convert_element_type3A_85 : vector<4x64x16xf32> to vector<1x4x64x16xf32>
    %reduce_sum3A_94 = arith.constant dense<0.000000e+00> : vector<1xf32>
    %reduce_sum3A_95 = vector.multi_reduction <add>, %reduce_sum3A_93, %reduce_sum3A_94 [1, 2, 3] : vector<1x4x64x16xf32> to vector<1xf32>
    %reduce_sum3A_96 = vector.shape_cast %reduce_sum3A_95 : vector<1xf32> to vector<1x1x1x1xf32>
    %reduce_sum3A_97 = vector.extract %reduce_sum3A_96[0, 0, 0, 0] : f32 from vector<1x1x1x1xf32>
    %get3A_98 = arith.constant 0 : index
    %get3A_99 = arith.constant 0 : index
    %get3A_100 = arith.constant 0 : index
    %get3A_101 = vector.load %arg4[%get3A_98, %get3A_99, %get3A_100] : memref<8x64x6xf32, #tpu.memory_space<vmem>>, vector<8x64x6xf32>
    %get3A_102 = arith.constant 0 : index
    %get3A_103 = arith.constant 0 : index
    %get3A_104 = arith.constant 0 : index
    %get3A_105 = vector.load %arg3[%get3A_102, %get3A_103, %get3A_104] : memref<1x8x64xi32, #tpu.memory_space<vmem>>, vector<1x8x64xi32>
    %squeeze3A_106 = vector.shape_cast %get3A_105 : vector<1x8x64xi32> to vector<8x64xi32>
    %eq3A_107 = arith.constant 3 : i32
    %eq3A_108 = vector.broadcast %eq3A_107 : i32 to vector<8x64xi32>
    %eq3A_109 = arith.cmpi eq, %squeeze3A_106, %eq3A_108 : vector<8x64xi32>
    %convert_element_type3A_110 = arith.extui %eq3A_109 : vector<8x64xi1> to vector<8x64xi32>
    %convert_element_type3A_111 = arith.sitofp %convert_element_type3A_110 : vector<8x64xi32> to vector<8x64xf32>
    %iota3A_112 = tpu.iota {dimensions = array<i32: 0>} : vector<64x64xi32>
    %iota3A_113 = tpu.iota {dimensions = array<i32: 1>} : vector<64x64xi32>
    %lt3A_114 = arith.cmpi slt, %iota3A_112, %iota3A_113 : vector<64x64xi32>
    %convert_element_type3A_115 = arith.extui %lt3A_114 : vector<64x64xi1> to vector<64x64xi32>
    %convert_element_type3A_116 = arith.sitofp %convert_element_type3A_115 : vector<64x64xi32> to vector<64x64xf32>
    %dot_general3A = arith.constant dense<0.000000e+00> : vector<8x64xf32>
    %dot_general3A_117 = tpu.matmul %convert_element_type3A_111, %convert_element_type3A_116, %dot_general3A {dimension_numbers = #tpu.dot_dimension_numbers<[1], [0], [0], [1], [0, 0, 1, 1], [], []>, transpose_lhs_hint = false} : vector<8x64xf32>, vector<64x64xf32>, vector<8x64xf32> -> vector<8x64xf32>
    %eq3A_118 = arith.constant 0.000000e+00 : f32
    %eq3A_119 = vector.broadcast %eq3A_118 : f32 to vector<8x64xf32>
    %eq3A_120 = arith.cmpf oeq, %dot_general3A_117, %eq3A_119 : vector<8x64xf32>
    %convert_element_type3A_121 = arith.extui %eq3A_120 : vector<8x64xi1> to vector<8x64xi32>
    %convert_element_type3A_122 = arith.sitofp %convert_element_type3A_121 : vector<8x64xi32> to vector<8x64xf32>
    %reduce_sum3A_123 = arith.constant dense<0.000000e+00> : vector<8xf32>
    %reduce_sum3A_124 = vector.multi_reduction <add>, %convert_element_type3A_111, %reduce_sum3A_123 [1] : vector<8x64xf32> to vector<8xf32>
    %lt3A_125 = arith.constant 6.400000e+01 : f32
    %lt3A_126 = vector.broadcast %lt3A_125 : f32 to vector<8xf32>
    %lt3A_127 = arith.cmpf olt, %reduce_sum3A_124, %lt3A_126 : vector<8xf32>
    %convert_element_type3A_128 = arith.extui %lt3A_127 : vector<8xi1> to vector<8xi32>
    %convert_element_type3A_129 = arith.sitofp %convert_element_type3A_128 : vector<8xi32> to vector<8xf32>
    %broadcast_in_dim3A_130 = vector.shape_cast %convert_element_type3A_129 : vector<8xf32> to vector<8x1xf32>
    %mul3A_131 = vector.broadcast %broadcast_in_dim3A_130 : vector<8x1xf32> to vector<8x64xf32>
    %mul3A_132 = arith.mulf %convert_element_type3A_122, %mul3A_131 : vector<8x64xf32>
    %reduce_max3A = arith.constant dense<0xFF800000> : vector<8x64xf32>
    %reduce_max3A_133 = vector.multi_reduction <maximumf>, %get3A_101, %reduce_max3A [2] : vector<8x64x6xf32> to vector<8x64xf32>
    %broadcast_in_dim3A_134 = vector.shape_cast %reduce_max3A_133 : vector<8x64xf32> to vector<8x64x1xf32>
    %sub3A_135 = vector.broadcast %broadcast_in_dim3A_134 : vector<8x64x1xf32> to vector<8x64x6xf32>
    %sub3A_136 = arith.subf %get3A_101, %sub3A_135 : vector<8x64x6xf32>
    %exp3A_137 = math.exp %sub3A_136 : vector<8x64x6xf32>
    %reduce_sum3A_138 = arith.constant dense<0.000000e+00> : vector<8x64xf32>
    %reduce_sum3A_139 = vector.multi_reduction <add>, %exp3A_137, %reduce_sum3A_138 [2] : vector<8x64x6xf32> to vector<8x64xf32>
    %log3A_140 = math.log %reduce_sum3A_139 : vector<8x64xf32>
    %add3A_141 = arith.addf %reduce_max3A_133, %log3A_140 : vector<8x64xf32>
    %iota3A_142 = tpu.iota {dimensions = array<i32: 2>} : vector<8x64x6xi32>
    %broadcast_in_dim3A_143 = vector.shape_cast %squeeze3A_106 : vector<8x64xi32> to vector<8x64x1xi32>
    %eq3A_144 = vector.broadcast %broadcast_in_dim3A_143 : vector<8x64x1xi32> to vector<8x64x6xi32>
    %eq3A_145 = arith.cmpi eq, %iota3A_142, %eq3A_144 : vector<8x64x6xi32>
    %jit3A_146 = arith.constant 0.000000e+00 : f32
    %broadcast_in_dim3A_147 = vector.broadcast %jit3A_146 : f32 to vector<8x64x6xf32>
    %select_n3A_148 = arith.select %eq3A_145, %get3A_101, %broadcast_in_dim3A_147 : vector<8x64x6xi1>, vector<8x64x6xf32>
    %reduce_sum3A_149 = arith.constant dense<0.000000e+00> : vector<8x64xf32>
    %reduce_sum3A_150 = vector.multi_reduction <add>, %select_n3A_148, %reduce_sum3A_149 [2] : vector<8x64x6xf32> to vector<8x64xf32>
    %sub3A_151 = arith.subf %add3A_141, %reduce_sum3A_150 : vector<8x64xf32>
    %mul3A_152 = arith.mulf %mul3A_132, %sub3A_151 : vector<8x64xf32>
    %reduce_sum3A_153 = vector.shape_cast %mul3A_152 : vector<8x64xf32> to vector<1x8x64xf32>
    %reduce_sum3A_154 = arith.constant dense<0.000000e+00> : vector<1xf32>
    %reduce_sum3A_155 = vector.multi_reduction <add>, %reduce_sum3A_153, %reduce_sum3A_154 [1, 2] : vector<1x8x64xf32> to vector<1xf32>
    %reduce_sum3A_156 = vector.shape_cast %reduce_sum3A_155 : vector<1xf32> to vector<1x1x1xf32>
    %reduce_sum3A_157 = vector.extract %reduce_sum3A_156[0, 0, 0] : f32 from vector<1x1x1xf32>
    %reduce_sum3A_158 = vector.shape_cast %mul3A_132 : vector<8x64xf32> to vector<1x8x64xf32>
    %reduce_sum3A_159 = arith.constant dense<0.000000e+00> : vector<1xf32>
    %reduce_sum3A_160 = vector.multi_reduction <add>, %reduce_sum3A_158, %reduce_sum3A_159 [1, 2] : vector<1x8x64xf32> to vector<1xf32>
    %reduce_sum3A_161 = vector.shape_cast %reduce_sum3A_160 : vector<1xf32> to vector<1x1x1xf32>
    %reduce_sum3A_162 = vector.extract %reduce_sum3A_161[0, 0, 0] : f32 from vector<1x1x1xf32>
    %eq3A_163 = arith.constant 0 : i32
    %eq3A_164 = arith.cmpi eq, %arg0, %eq3A_163 : i32
    %convert_element_type3A_165 = arith.extui %eq3A_164 : i1 to i32
    %cond3A = arith.constant 0 : i32
    %cond3A_166 = arith.cmpi ne, %convert_element_type3A_165, %cond3A : i32
    scf.if %cond3A_166 {
      %swap3A = arith.constant 0 : index
      %swap3A_176 = memref.load %arg7[%swap3A] : memref<4xf32, #tpu.memory_space<smem>>
      memref.store %reduce_sum3A_92, %arg7[%swap3A] : memref<4xf32, #tpu.memory_space<smem>>
      %swap3A_177 = arith.constant 1 : index
      %swap3A_178 = memref.load %arg7[%swap3A_177] : memref<4xf32, #tpu.memory_space<smem>>
      memref.store %reduce_sum3A_97, %arg7[%swap3A_177] : memref<4xf32, #tpu.memory_space<smem>>
      %swap3A_179 = arith.constant 2 : index
      %swap3A_180 = memref.load %arg7[%swap3A_179] : memref<4xf32, #tpu.memory_space<smem>>
      memref.store %reduce_sum3A_157, %arg7[%swap3A_179] : memref<4xf32, #tpu.memory_space<smem>>
      %swap3A_181 = arith.constant 3 : index
      %swap3A_182 = memref.load %arg7[%swap3A_181] : memref<4xf32, #tpu.memory_space<smem>>
      memref.store %reduce_sum3A_162, %arg7[%swap3A_181] : memref<4xf32, #tpu.memory_space<smem>>
    } else {
    }
    %ne3A = arith.constant 0 : i32
    %ne3A_167 = arith.cmpi ne, %arg0, %ne3A : i32
    %convert_element_type3A_168 = arith.extui %ne3A_167 : i1 to i32
    %cond3A_169 = arith.constant 0 : i32
    %cond3A_170 = arith.cmpi ne, %convert_element_type3A_168, %cond3A_169 : i32
    scf.if %cond3A_170 {
      %get3A_176 = arith.constant 0 : index
      %get3A_177 = memref.load %arg7[%get3A_176] : memref<4xf32, #tpu.memory_space<smem>>
      %add3A_178 = arith.addf %get3A_177, %reduce_sum3A_92 : f32
      %swap3A = arith.constant 0 : index
      %swap3A_179 = memref.load %arg7[%swap3A] : memref<4xf32, #tpu.memory_space<smem>>
      memref.store %add3A_178, %arg7[%swap3A] : memref<4xf32, #tpu.memory_space<smem>>
      %get3A_180 = arith.constant 1 : index
      %get3A_181 = memref.load %arg7[%get3A_180] : memref<4xf32, #tpu.memory_space<smem>>
      %add3A_182 = arith.addf %get3A_181, %reduce_sum3A_97 : f32
      %swap3A_183 = arith.constant 1 : index
      %swap3A_184 = memref.load %arg7[%swap3A_183] : memref<4xf32, #tpu.memory_space<smem>>
      memref.store %add3A_182, %arg7[%swap3A_183] : memref<4xf32, #tpu.memory_space<smem>>
      %get3A_185 = arith.constant 2 : index
      %get3A_186 = memref.load %arg7[%get3A_185] : memref<4xf32, #tpu.memory_space<smem>>
      %add3A_187 = arith.addf %get3A_186, %reduce_sum3A_157 : f32
      %swap3A_188 = arith.constant 2 : index
      %swap3A_189 = memref.load %arg7[%swap3A_188] : memref<4xf32, #tpu.memory_space<smem>>
      memref.store %add3A_187, %arg7[%swap3A_188] : memref<4xf32, #tpu.memory_space<smem>>
      %get3A_190 = arith.constant 3 : index
      %get3A_191 = memref.load %arg7[%get3A_190] : memref<4xf32, #tpu.memory_space<smem>>
      %add3A_192 = arith.addf %get3A_191, %reduce_sum3A_162 : f32
      %swap3A_193 = arith.constant 3 : index
      %swap3A_194 = memref.load %arg7[%swap3A_193] : memref<4xf32, #tpu.memory_space<smem>>
      memref.store %add3A_192, %arg7[%swap3A_193] : memref<4xf32, #tpu.memory_space<smem>>
    } else {
    }
    %eq3A_171 = arith.constant 15 : i32
    %eq3A_172 = arith.cmpi eq, %arg0, %eq3A_171 : i32
    %convert_element_type3A_173 = arith.extui %eq3A_172 : i1 to i32
    %cond3A_174 = arith.constant 0 : i32
    %cond3A_175 = arith.cmpi ne, %convert_element_type3A_173, %cond3A_174 : i32
    scf.if %cond3A_175 {
      %get3A_176 = arith.constant 0 : index
      %get3A_177 = memref.load %arg7[%get3A_176] : memref<4xf32, #tpu.memory_space<smem>>
      %swap3A = arith.constant 0 : index
      %swap3A_178 = arith.constant 0 : index
      %swap3A_179 = memref.load %arg6[%swap3A, %swap3A_178] : memref<1x4xf32, #tpu.memory_space<smem>>
      memref.store %get3A_177, %arg6[%swap3A, %swap3A_178] : memref<1x4xf32, #tpu.memory_space<smem>>
      %get3A_180 = arith.constant 1 : index
      %get3A_181 = memref.load %arg7[%get3A_180] : memref<4xf32, #tpu.memory_space<smem>>
      %swap3A_182 = arith.constant 0 : index
      %swap3A_183 = arith.constant 1 : index
      %swap3A_184 = memref.load %arg6[%swap3A_182, %swap3A_183] : memref<1x4xf32, #tpu.memory_space<smem>>
      memref.store %get3A_181, %arg6[%swap3A_182, %swap3A_183] : memref<1x4xf32, #tpu.memory_space<smem>>
      %get3A_185 = arith.constant 2 : index
      %get3A_186 = memref.load %arg7[%get3A_185] : memref<4xf32, #tpu.memory_space<smem>>
      %swap3A_187 = arith.constant 0 : index
      %swap3A_188 = arith.constant 2 : index
      %swap3A_189 = memref.load %arg6[%swap3A_187, %swap3A_188] : memref<1x4xf32, #tpu.memory_space<smem>>
      memref.store %get3A_186, %arg6[%swap3A_187, %swap3A_188] : memref<1x4xf32, #tpu.memory_space<smem>>
      %get3A_190 = arith.constant 3 : index
      %get3A_191 = memref.load %arg7[%get3A_190] : memref<4xf32, #tpu.memory_space<smem>>
      %swap3A_192 = arith.constant 0 : index
      %swap3A_193 = arith.constant 3 : index
      %swap3A_194 = memref.load %arg6[%swap3A_192, %swap3A_193] : memref<1x4xf32, #tpu.memory_space<smem>>
      memref.store %get3A_191, %arg6[%swap3A_192, %swap3A_193] : memref<1x4xf32, #tpu.memory_space<smem>>
    } else {
    }
    return
  }
  func.func @transform_0(%arg0: i32) -> (i32, i32, i32) {
    %c0_i32 = arith.constant 0 : i32
    %c0_i32_0 = arith.constant 0 : i32
    %c0_i32_1 = arith.constant 0 : i32
    return %arg0, %c0_i32, %c0_i32_0 : i32, i32, i32
  }
  func.func @transform_1(%arg0: i32) -> (i32, i32, i32) {
    %c0_i32 = arith.constant 0 : i32
    %c0_i32_0 = arith.constant 0 : i32
    %c0_i32_1 = arith.constant 0 : i32
    return %arg0, %c0_i32, %c0_i32_0 : i32, i32, i32
  }
  func.func @transform_2(%arg0: i32) -> (i32, i32, i32) {
    %c0_i32 = arith.constant 0 : i32
    %c0_i32_0 = arith.constant 0 : i32
    %c0_i32_1 = arith.constant 0 : i32
    return %arg0, %c0_i32, %c0_i32_0 : i32, i32, i32
  }
  func.func @transform_3(%arg0: i32) -> (i32, i32, i32) {
    %c0_i32 = arith.constant 0 : i32
    %c0_i32_0 = arith.constant 0 : i32
    %c0_i32_1 = arith.constant 0 : i32
    return %arg0, %c0_i32, %c0_i32_0 : i32, i32, i32
  }
  func.func @transform_4(%arg0: i32) -> (i32, i32, i32, i32) {
    %c0_i32 = arith.constant 0 : i32
    %c0_i32_0 = arith.constant 0 : i32
    %c0_i32_1 = arith.constant 0 : i32
    %c0_i32_2 = arith.constant 0 : i32
    return %arg0, %c0_i32, %c0_i32_0, %c0_i32_1 : i32, i32, i32, i32
  }
  func.func @transform_5(%arg0: i32) -> (i32, i32) {
    %c0_i32 = arith.constant 0 : i32
    %c0_i32_0 = arith.constant 0 : i32
    %c0_i32_1 = arith.constant 0 : i32
    return %c0_i32, %c0_i32_0 : i32, i32
  }
}

module attributes {stable_mosaic.version = 14 : i64} {
  func.func @_combine_body(%arg0: memref<1x4xf32, #tpu.memory_space<smem>>, %arg1: memref<8x128xf32, #tpu.memory_space<vmem>>, %arg2: memref<512x128xf32, #tpu.memory_space<vmem>>, %arg3: memref<1x1xf32, #tpu.memory_space<smem>>, %arg4: memref<1x1xf32, #tpu.memory_space<smem>>) attributes {dimension_semantics = [], scalar_prefetch = 0 : i64, scratch_operands = 0 : i64, tpu.core_type = #tpu.core_type<tc>} {
    %get3A = arith.constant 0 : index
    %get3A_0 = arith.constant 0 : index
    %get3A_1 = vector.load %arg2[%get3A, %get3A_0] : memref<512x128xf32, #tpu.memory_space<vmem>>, vector<512x128xf32>
    %log3A = math.log %get3A_1 : vector<512x128xf32>
    %get3A_2 = arith.constant 0 : index
    %get3A_3 = arith.constant 0 : index
    %get3A_4 = vector.load %arg1[%get3A_2, %get3A_3] : memref<8x128xf32, #tpu.memory_space<vmem>>, vector<8x128xf32>
    %iota3A = tpu.iota {dimensions = array<i32: 1>} : vector<8x128xi32>
    %iota3A_5 = tpu.iota {dimensions = array<i32: 0>} : vector<8x128xi32>
    %mul3A = arith.constant 128 : i32
    %mul3A_6 = vector.broadcast %mul3A : i32 to vector<8x128xi32>
    %mul3A_7 = arith.muli %iota3A_5, %mul3A_6 : vector<8x128xi32>
    %add3A = arith.addi %mul3A_7, %iota3A : vector<8x128xi32>
    %jit3A = arith.constant 16 : i32
    %div3A = vector.broadcast %jit3A : i32 to vector<8x128xi32>
    %div3A_8 = arith.divsi %add3A, %div3A : vector<8x128xi32>
    %sign3A = arith.constant 0 : i32
    %sign3A_9 = vector.broadcast %sign3A : i32 to vector<8x128xi32>
    %sign3A_10 = arith.cmpi sgt, %add3A, %sign3A_9 : vector<8x128xi32>
    %sign3A_11 = arith.extui %sign3A_10 : vector<8x128xi1> to vector<8x128xi32>
    %sign3A_12 = arith.constant 0 : i32
    %sign3A_13 = vector.broadcast %sign3A_12 : i32 to vector<8x128xi32>
    %sign3A_14 = arith.cmpi slt, %add3A, %sign3A_13 : vector<8x128xi32>
    %sign3A_15 = arith.extui %sign3A_14 : vector<8x128xi1> to vector<8x128xi32>
    %sign3A_16 = arith.subi %sign3A_11, %sign3A_15 : vector<8x128xi32>
    %sign3A_17 = arith.constant 0 : i32
    %sign3A_18 = arith.cmpi sgt, %jit3A, %sign3A_17 : i32
    %sign3A_19 = arith.extui %sign3A_18 : i1 to i32
    %sign3A_20 = arith.constant 0 : i32
    %sign3A_21 = arith.cmpi slt, %jit3A, %sign3A_20 : i32
    %sign3A_22 = arith.extui %sign3A_21 : i1 to i32
    %sign3A_23 = arith.subi %sign3A_19, %sign3A_22 : i32
    %ne3A = vector.broadcast %sign3A_23 : i32 to vector<8x128xi32>
    %ne3A_24 = arith.cmpi ne, %sign3A_16, %ne3A : vector<8x128xi32>
    %rem3A = vector.broadcast %jit3A : i32 to vector<8x128xi32>
    %rem3A_25 = arith.remsi %add3A, %rem3A : vector<8x128xi32>
    %ne3A_26 = arith.constant 0 : i32
    %ne3A_27 = vector.broadcast %ne3A_26 : i32 to vector<8x128xi32>
    %ne3A_28 = arith.cmpi ne, %rem3A_25, %ne3A_27 : vector<8x128xi32>
    %and3A = arith.andi %ne3A_24, %ne3A_28 : vector<8x128xi1>
    %sub3A = arith.constant 1 : i32
    %sub3A_29 = vector.broadcast %sub3A : i32 to vector<8x128xi32>
    %sub3A_30 = arith.subi %div3A_8, %sub3A_29 : vector<8x128xi32>
    %select_n3A = arith.select %and3A, %sub3A_30, %div3A_8 : vector<8x128xi1>, vector<8x128xi32>
    %jit3A_31 = arith.constant 2 : i32
    %eq3A = arith.constant 0 : i32
    %eq3A_32 = arith.cmpi eq, %jit3A_31, %eq3A : i32
    %jit3A_33 = arith.constant 1 : i32
    %select_n3A_34 = arith.select %eq3A_32, %jit3A_33, %jit3A_31 : i32
    %rem3A_35 = vector.broadcast %select_n3A_34 : i32 to vector<8x128xi32>
    %rem3A_36 = arith.remsi %select_n3A, %rem3A_35 : vector<8x128xi32>
    %ne3A_37 = arith.constant 0 : i32
    %ne3A_38 = vector.broadcast %ne3A_37 : i32 to vector<8x128xi32>
    %ne3A_39 = arith.cmpi ne, %rem3A_36, %ne3A_38 : vector<8x128xi32>
    %lt3A = arith.constant 0 : i32
    %lt3A_40 = vector.broadcast %lt3A : i32 to vector<8x128xi32>
    %lt3A_41 = arith.cmpi slt, %rem3A_36, %lt3A_40 : vector<8x128xi32>
    %lt3A_42 = arith.constant 0 : i32
    %lt3A_43 = arith.cmpi slt, %select_n3A_34, %lt3A_42 : i32
    %ne3A_44 = vector.broadcast %lt3A_43 : i1 to vector<8x128xi1>
    %ne3A_45 = vector.broadcast %ne3A_44 : vector<8x128xi1> to vector<8x128xi1>
    %ne3A_46 = arith.xori %lt3A_41, %ne3A_45 : vector<8x128xi1>
    %and3A_47 = arith.andi %ne3A_46, %ne3A_39 : vector<8x128xi1>
    %add3A_48 = vector.broadcast %select_n3A_34 : i32 to vector<8x128xi32>
    %add3A_49 = arith.addi %rem3A_36, %add3A_48 : vector<8x128xi32>
    %select_n3A_50 = arith.select %and3A_47, %add3A_49, %rem3A_36 : vector<8x128xi1>, vector<8x128xi32>
    %eq3A_51 = arith.constant 0 : i32
    %eq3A_52 = vector.broadcast %eq3A_51 : i32 to vector<8x128xi32>
    %eq3A_53 = arith.cmpi eq, %select_n3A_50, %eq3A_52 : vector<8x128xi32>
    %jit3A_54 = arith.constant 0.000000e+00 : f32
    %broadcast_in_dim3A = vector.broadcast %jit3A_54 : f32 to vector<8x128xf32>
    %select_n3A_55 = arith.select %eq3A_53, %get3A_4, %broadcast_in_dim3A : vector<8x128xi1>, vector<8x128xf32>
    %reduce_sum3A = vector.shape_cast %select_n3A_55 : vector<8x128xf32> to vector<1x8x128xf32>
    %reduce_sum3A_56 = arith.constant dense<0.000000e+00> : vector<1xf32>
    %reduce_sum3A_57 = vector.multi_reduction <add>, %reduce_sum3A, %reduce_sum3A_56 [1, 2] : vector<1x8x128xf32> to vector<1xf32>
    %reduce_sum3A_58 = vector.shape_cast %reduce_sum3A_57 : vector<1xf32> to vector<1x1x1xf32>
    %reduce_sum3A_59 = vector.extract %reduce_sum3A_58[0, 0, 0] : f32 from vector<1x1x1xf32>
    %jit3A_60 = arith.constant 0.000000e+00 : f32
    %broadcast_in_dim3A_61 = vector.broadcast %jit3A_60 : f32 to vector<8x128xf32>
    %select_n3A_62 = arith.select %eq3A_53, %broadcast_in_dim3A_61, %get3A_4 : vector<8x128xi1>, vector<8x128xf32>
    %reduce_sum3A_63 = vector.shape_cast %select_n3A_62 : vector<8x128xf32> to vector<1x8x128xf32>
    %reduce_sum3A_64 = arith.constant dense<0.000000e+00> : vector<1xf32>
    %reduce_sum3A_65 = vector.multi_reduction <add>, %reduce_sum3A_63, %reduce_sum3A_64 [1, 2] : vector<1x8x128xf32> to vector<1xf32>
    %reduce_sum3A_66 = vector.shape_cast %reduce_sum3A_65 : vector<1xf32> to vector<1x1x1xf32>
    %reduce_sum3A_67 = vector.extract %reduce_sum3A_66[0, 0, 0] : f32 from vector<1x1x1xf32>
    %get3A_68 = arith.constant 0 : index
    %get3A_69 = arith.constant 0 : index
    %get3A_70 = memref.load %arg0[%get3A_68, %get3A_69] : memref<1x4xf32, #tpu.memory_space<smem>>
    %reduce_sum3A_71 = vector.shape_cast %log3A : vector<512x128xf32> to vector<1x512x128xf32>
    %reduce_sum3A_72 = arith.constant dense<0.000000e+00> : vector<1xf32>
    %reduce_sum3A_73 = vector.multi_reduction <add>, %reduce_sum3A_71, %reduce_sum3A_72 [1, 2] : vector<1x512x128xf32> to vector<1xf32>
    %reduce_sum3A_74 = vector.shape_cast %reduce_sum3A_73 : vector<1xf32> to vector<1x1x1xf32>
    %reduce_sum3A_75 = vector.extract %reduce_sum3A_74[0, 0, 0] : f32 from vector<1x1x1xf32>
    %add3A_76 = arith.addf %get3A_70, %reduce_sum3A_75 : f32
    %sub3A_77 = arith.subf %add3A_76, %reduce_sum3A_59 : f32
    %get3A_78 = arith.constant 0 : index
    %get3A_79 = arith.constant 1 : index
    %get3A_80 = memref.load %arg0[%get3A_78, %get3A_79] : memref<1x4xf32, #tpu.memory_space<smem>>
    %add3A_81 = arith.addf %get3A_80, %reduce_sum3A_67 : f32
    %get3A_82 = arith.constant 0 : index
    %get3A_83 = arith.constant 2 : index
    %get3A_84 = memref.load %arg0[%get3A_82, %get3A_83] : memref<1x4xf32, #tpu.memory_space<smem>>
    %get3A_85 = arith.constant 0 : index
    %get3A_86 = arith.constant 3 : index
    %get3A_87 = memref.load %arg0[%get3A_85, %get3A_86] : memref<1x4xf32, #tpu.memory_space<smem>>
    %div3A_88 = arith.divf %get3A_84, %get3A_87 : f32
    %swap3A = arith.constant 0 : index
    %swap3A_89 = arith.constant 0 : index
    %swap3A_90 = memref.load %arg3[%swap3A, %swap3A_89] : memref<1x1xf32, #tpu.memory_space<smem>>
    memref.store %div3A_88, %arg3[%swap3A, %swap3A_89] : memref<1x1xf32, #tpu.memory_space<smem>>
    %mul3A_91 = arith.constant 2.000000e+00 : f32
    %mul3A_92 = arith.mulf %mul3A_91, %sub3A_77 : f32
    %div3A_93 = arith.divf %mul3A_92, %add3A_81 : f32
    %swap3A_94 = arith.constant 0 : index
    %swap3A_95 = arith.constant 0 : index
    %swap3A_96 = memref.load %arg4[%swap3A_94, %swap3A_95] : memref<1x1xf32, #tpu.memory_space<smem>>
    memref.store %div3A_93, %arg4[%swap3A_94, %swap3A_95] : memref<1x1xf32, #tpu.memory_space<smem>>
    return
  }
}

</mosaic_0001>

<sc_bundles>
// kernel: kernel.5.cloned.1.call-start
scs
__scs_entry_jumppad:
0x0: {  	(pc) =	sbr.rel $0x88, $3  }
0x1: {  	(tag) =	ssettag $0x0;
	lr =	simm.s32 $0x1  }
0x2: {  	[smem:$0x3F9D] =	sst lr;
	_ =	strace $0xD0000000  }
0x3: {  	_ = 	snop  }
0x4: {  	_ = 	snop  }
0x5: {  	_ = 	snop  }
0x6: {  	_ = 	snop  }
0x7: {  	_ = 	snop  }
__scs_overlays_trampoline_lowered:
0x8: {  	[smem:$0x3FAC] =	sst s0  }
0x9: {  	[smem:$0x3FAD] =	sst s1  }
0xa: {  	[smem:$0x3FAE] =	sst s2  }
0xb: {  	[smem:$0x3FAF] =	sst s3  }
0xc: {  	[smem:$0x3FB0] =	sst s4  }
0xd: {  	[smem:$0x3FB1] =	sst s5  }
0xe: {  	[smem:$0x3FB2] =	sst s6  }
0xf: {  	[smem:$0x3FB3] =	sst s7  }
0x10: {  	[smem:$0x3FB4] =	sst s8  }
0x11: {  	[smem:$0x3FB5] =	sst s9;
	s0 =	simm.s32 @!p0 $0x0  }
0x12: {  	s1 =	sld [smem:$0x3F9B];
	s0 =	simm.s32 @p0 $0x1  }
0x13: {  	[smem:$0x3FB6] =	sst s0;
	s0 =	simm.s32 @!p1 $0x0  }
0x14: {  	s2 =	sld [smem:$0x3F9A];
	s0 =	simm.s32 @p1 $0x1  }
0x15: {  	[smem:$0x3FB7] =	sst s0;
	s0 =	simm.s32 @!p2 $0x0  }
0x16: {  	s3 =	sld [smem:$0x3FDB];
	s0 =	simm.s32 @p2 $0x1  }
0x17: {  	s4 =	simm.s32 $0x1BF5;
	[smem:$0x3FB9] =	sst s0  }
0x18: {  	s0 =	sld [smem:$0x3F9C];
	_ =	swait.ge [sflag:s4], $0x0  }
0x19: {  	s7 =	sld [smem:$0x3F9D]  }
0x1a: {  	s8 =	sadd.s32 $0xFFFFE003, lr  }
0x1b: {  	s9 =	sadd.s32 $0xFFFFFEF7, lr;
	s5 =	simm.s32 $0xFFFFFFFF;
	p2 =	slt.u32 s8, $0xFFFFF086  }
0x1c: {  	p1 =	slt.u32 s9, $0xF7A;
	s5 =	simm.s32 @!p2 $0x0  }
0x1d: {  	s5 =	simm.s32 @p1 $0x1;
	p0 =	seq.s32 s7, s2  }
0x1e: {  	s7 =	smul.u32 @!p0 $0xF7A, s2;
	p2 =	seq.s32 @!p0 s5, $0x0  }
0x1f: {  	s9 =	smul.u32 $0xF7A, s1;
	s8 =	simm.s32 @!p0 $0x1BF5;
	p2 =	por !p2, p0  }
0x20: {  	[sflag:s8] =	ssyncset.s32 @!p0 $0xFFFFF086;
	s6 =	sadd.s32 @!p0 s3, s7;
	s7 =	simm.s32 @!p0 $0x108  }
0x21: {  	s3 =	sadd.s32 s3, s9;
	s6 =	sadd.s32 @!p0 $0x88, s6;
	s7 =	simm.s32 @p2 $0x1082  }
0x22: {  	[simem:s7], [sflag:s8] =	dma.local @!p0 [hbm:s6], $0xF7A  }
0x23: {  	s9 =	sor.u32 $0xD0000000, s2;
	s6 =	simm.s32 $0x108;
	_ =	swait.ge @!p0 [sflag:s8], $0x0  }
0x24: {  	s3 =	sadd.s32 $0x88, s3;
	s6 =	simm.s32 @!p1 $0x1082;
	[sflag:s4] =	ssyncset.s32 $0xFFFFF086  }
0x25: {  	[simem:s6], [sflag:s4] =	dma.local [hbm:s3], $0xF7A  }
0x26: {  	[smem:$0x3F9D] =	sst s1;
	(tag) =	ssettag s2;
	_ =	strace s9  }
0x27: {  	s1 =	sld [smem:$0x3FAD]  }
0x28: {  	s2 =	sld [smem:$0x3FAE]  }
0x29: {  	s4 =	sld [smem:$0x3FB0]  }
0x2a: {  	p0 =	seq.s32 s5, $0x0;
	s5 =	sld [smem:$0x3FB1]  }
0x2b: {  	s6 =	sld [smem:$0x3FB2]  }
0x2c: {  	s7 =	sld [smem:$0x3FB3]  }
0x2d: {  	s3 =	simm.s32 $0x108;
	s8 =	sld [smem:$0x3FB4]  }
0x2e: {  	s3 =	simm.s32 @!p0 $0x1082;
	s9 =	sld [smem:$0x3FB5]  }
0x2f: {  	lr =	sadd.s32 s0, s3;
	s0 =	sld [smem:$0x3FAC]  }
0x30: {  	s3 =	sld [smem:$0x3FAF]  }
0x31: {  	[smem:$0x3FB8] =	sst s10  }
0x32: {  	s10 =	sld [smem:$0x3FB6];
	_ =	sdelay $0x3  }
0x33: {  	p0 =	seq.s32 s10, $0x1;
	s10 =	sld [smem:$0x3FB8];
	_ =	sdelay $0x3  }
0x34: {  	[smem:$0x3FB8] =	sst s10  }
0x35: {  	s10 =	sld [smem:$0x3FB7];
	_ =	sdelay $0x3  }
0x36: {  	p1 =	seq.s32 s10, $0x1;
	s10 =	sld [smem:$0x3FB8];
	_ =	sdelay $0x3  }
0x37: {  	[smem:$0x3FB8] =	sst s10  }
0x38: {  	s10 =	sld [smem:$0x3FB9]  }
0x39: {  	_ = 	snop;
	(pc) =	sbr.ind lr, $3  }
0x3a: {  	_ = 	snop  }
0x3b: {  	_ = 	snop  }
0x3c: {  	p2 =	seq.s32 s10, $0x1;
	s10 =	sld [smem:$0x3FB8]  }
0x3d: {  	_ =	shalt  }
0x3e: {  	_ =	shalt  }
0x3f: {  	_ =	shalt  }
0x40: {  	_ =	shalt  }
0x41: {  	_ =	shalt  }
0x42: {  	_ =	shalt  }
0x43: {  	_ =	shalt  }
0x44: {  	_ =	shalt  }
0x45: {  	_ =	shalt  }
0x46: {  	_ =	shalt  }
0x47: {  	_ =	shalt  }
0x48: {  	_ =	shalt  }
0x49: {  	_ =	shalt  }
0x4a: {  	_ =	shalt  }
0x4b: {  	_ =	shalt  }
0x4c: {  	_ =	shalt  }
0x4d: {  	_ =	shalt  }
0x4e: {  	_ =	shalt  }
0x4f: {  	_ =	shalt  }
0x50: {  	_ =	shalt  }
0x51: {  	_ =	shalt  }
0x52: {  	_ =	shalt  }
0x53: {  	_ =	shalt  }
0x54: {  	_ =	shalt  }
0x55: {  	_ =	shalt  }
0x56: {  	_ =	shalt  }
0x57: {  	_ =	shalt  }
0x58: {  	_ =	shalt  }
0x59: {  	_ =	shalt  }
0x5a: {  	_ =	shalt  }
0x5b: {  	_ =	shalt  }
0x5c: {  	_ =	shalt  }
0x5d: {  	_ =	shalt  }
0x5e: {  	_ =	shalt  }
0x5f: {  	_ =	shalt  }
0x60: {  	_ =	shalt  }
0x61: {  	_ =	shalt  }
0x62: {  	_ =	shalt  }
0x63: {  	_ =	shalt  }
0x64: {  	_ =	shalt  }
0x65: {  	_ =	shalt  }
0x66: {  	_ =	shalt  }
0x67: {  	_ =	shalt  }
0x68: {  	_ =	shalt  }
0x69: {  	_ =	shalt  }
0x6a: {  	_ =	shalt  }
0x6b: {  	_ =	shalt  }
0x6c: {  	_ =	shalt  }
0x6d: {  	_ =	shalt  }
0x6e: {  	_ =	shalt  }
0x6f: {  	_ =	shalt  }
0x70: {  	_ =	shalt  }
0x71: {  	_ =	shalt  }
0x72: {  	_ =	shalt  }
0x73: {  	_ =	shalt  }
0x74: {  	_ =	shalt  }
0x75: {  	_ =	shalt  }
0x76: {  	_ =	shalt  }
0x77: {  	_ =	shalt  }
0x78: {  	_ =	shalt  }
0x79: {  	_ =	shalt  }
0x7a: {  	_ =	shalt  }
0x7b: {  	_ =	shalt  }
0x7c: {  	_ =	shalt  }
0x7d: {  	_ =	shalt  }
0x7e: {  	_ =	shalt  }
0x7f: {  	_ =	shalt  }
0x80: {  	_ =	shalt  }
0x81: {  	_ =	shalt  }
0x82: {  	_ =	shalt  }
0x83: {  	_ =	shalt  }
0x84: {  	_ =	shalt  }
0x85: {  	_ =	shalt  }
0x86: {  	_ =	shalt  }
0x87: {  	_ =	shalt  }
.Lfunc_end0:
.L_simem_size_0:
called_computation_lowered:
.L_overlay_start_0:
0x88: {  	s2 =	sld [smem:$0x3FD9]  }
0x89: {  	s3 =	sld [smem:$0x3FFE];
	_ =	sdelay $0x1  }
0x8a: {  	s1 =	srdreg.scid  }
0x8b: {  	s0 =	sand.u32 $0x1, s1  }
0x8c: {  	s16 =	sshll.u32 s0, $0xA;
	s2 =	sadd.s32 s3, s2  }
0x8d: {  	s2 =	sadd.s32 s2, s16  }
0x8e: {  	[smem:$0x3FC4] =	sst s2  }
0x8f: {  	_ = 	snop  }
0x90: {  	(tm) =	ssettm $0x1  }
0x91: {  	s17 =	sld [smem:$0x3FFB];
	_ =	sdelay $0x3  }
0x92: {  	_ =	strace s17  }
0x93: {  	s2 =	sld [smem:$0x3FFC];
	_ =	sdelay $0x3  }
0x94: {  	_ =	strace s2  }
0x95: {  	s2 =	sld [smem:$0x3FFD];
	_ =	sdelay $0x3  }
0x96: {  	_ =	strace s2  }
0x97: {  	_ =	strace $0x8FFFFFFF  }
0x98: {  	s18 =	sld [smem:$0x3FDB];
	_ =	sdelay $0x1  }
0x99: {  	s19 =	simm.s32 $_scs_section_size  }
0x9a: {  	s4 =	simm.s32 $_size__tile_overlayer_lowered;
	s5 =	simm.s32 $_tile_overlayer_lowered  }
0x9b: {  	s22 =	simm.s32 $0x1BFF;
	s21 =	sshll.u32 s5, $0x1;
	s2 =	sadd.s32 s19, s18  }
0x9c: {  	s6 =	simm.s32 $0x0;
	s20 =	sshll.u32 s4, $0x1;
	s4 =	sadd.s32 s21, s2  }
0x9d: {  	[timem:s6], [sflag:s22] =	dma.local [hbm:s4], s20  }
0x9e: {  	_ =	swait.ge [sflag:s22], s20  }
0x9f: {  	s3 =	ssub.s32 $0x0, s20;
	[sflag:s22] =	ssyncset.done $0x0  }
0xa0: {  	[sflag:s22] =	ssyncadd.s32 s3;
	_ =	sdelay $0x1  }
0xa1: {  	s23 =	simm.s32 $0x1B8B  }
0xa2: {  	_ =	swait.ge [sflag:s23], $0x1  }
0xa3: {  	[sflag:s23] =	ssyncset.done $0x0  }
0xa4: {  	s25 =	simm.s32 $0x1B8E;
	s24 =	sld [smem:$0x3FFE];
	[sflag:s23] =	ssyncadd.s32 $0xFFFFFFFF  }
0xa5: {  	s26 =	simm.s32 $execute0_lowered;
	[smem:$0x3FD2] =	sst s25  }
0xa6: {  	s4 =	sshll.u32 s26, $0x1;
	_ =	strace $0x80000046;
	[dreg:$0x1] =	wrdreg $0xFFFFFFFF  }
0xa7: {  	s28 =	simm.s32 $_size_execute0_lowered;
	s2 =	sadd.s32 s2, s4;
	[dreg:$0x0] =	wrdreg $0x0  }
0xa8: {  	s4 =	sshll.u32 s28, $0x1;
	[dreg:$0x2] =	wrdreg s2  }
0xa9: {  	[dreg:$0x3] =	wrdreg s4  }
0xaa: {  	[dreg:$0x4] =	wrdreg $0xC0  }
0xab: {  	_ =	task [dreg:s6], $0x5FFFF  }
0xac: {  	[dreg:$0x1] =	wrdreg $0xFFFFFFFF  }
0xad: {  	[dreg:$0x0] =	wrdreg $0x60  }
0xae: {  	[dreg:$0x2] =	wrdreg s24  }
0xaf: {  	[dreg:$0x3] =	wrdreg $0x9  }
0xb0: {  	_ =	task.clear_ibuf [dreg:s6], $0x4FFFF;
	_ =	strace $0x90000046  }
0xb1: {  	s29 =	simm.s32 $0x9;
	_ =	strace $0x80000048  }
0xb2: {  	_ =	swait.ge [sflag:s29], $0x1  }
0xb3: {  	[sflag:s29] =	ssyncadd.s32 $0xFFFFFFFF  }
0xb4: {  	_ =	strace $0x90000048  }
0xb5: {  	_ =	sfence  }
0xb6: {  	s30 =	sld [smem:$0x0];
	_ =	sdelay $0x2  }
0xb7: {  	s31 =	sshll.u32 s1, $0xD;
	s1 =	sshrl.u32 s1, $0x2  }
0xb8: {  	s3 =	sand.u32 $0x4000, s31;
	s1 =	sadd.s32 s1, s30  }
0xb9: {  	s0 =	sor.u32 s3, s0;
	s1 =	sshll.u32 s1, $0x11  }
0xba: {  	s0 =	sor.u32 s1, s0  }
0xbb: {  	s0 =	sadd.s32 $0x8F2B, s0  }
0xbc: {  	[sflag:s0] =	ssyncadd.remote.s32 $0x1  }
0xbd: {  	_ =	sfence.sel $0xFFFF  }
0xbe: {  	[dreg:$0x0] =	wrdreg $0xFFFFFFFF;
	(pc) =	sbr.abs _section_cstart, $3  }
0xbf: {  	[dreg:$0x1] =	wrdreg $0xFFFFFFFF  }
0xc0: {  	_ =	task.clear_ibuf [dreg:s6], $0x2FFFF;
	_ =	strace $0x9FFFFFFF  }
0xc1: {  	(tm) =	ssettm $0x7FFFFFFF  }
tec
execute0_lowered:
.L_overlay_start_1:
0x0: {  	(tag) =	ssettag $0x1  }
0x1: {  	s7 =	rddreg [dreg:$0x0]  }
0x2: {  	s0 =	rddreg [dreg:$0x1];
	s2 =	simm.s32 $0x0;
	s4 =	srdreg.scid  }
0x3: {  	s1 =	stileid.u32;
	s12 =	simm.s32 $0x8100;
	s13 =	simm.s32 $0x8180  }
0x4: {  	s14 =	simm.s32 $0x8200;
	s15 =	simm.s32 $0x0;
	[smem:$0x7FF] =	sst s2  }
0x5: {  	s3 =	sadd.s32 $0x626400, s7;
	s5 =	sand.u32 $0x1, s4;
	s6 =	sshll.u32 s1, $0x1  }
0x6: {  	s4 =	sadd.s32 $0x22400, s7;
	_ =	strace $0x80000047;
	s8 =	sor.u32 s5, s6  }
0x7: {  	v0 =	vlaneseq.u32;
	s9 =	ssub.s32 $0x2, s5;
	s5 =	sadd.s32 $0x1800, s7;
	s10 =	sshll.u32 s8, $0x2  }
0x8: {  	vm2 =	vcmask $0x1310;
	vm3 =	vcmask $0x700;
	v0 =	vmul.u32 $0x101, v0;
	s6 =	sadd.s32 $0xA2A400, s7;
	s11 =	sshrl.u32 s9, $0x1;
	s10 =	sadd.s32 s10, s7  }
0x9: {  	vm0 =	vmmov $0x3;
	vm1 =	vmmov $0xf;
	v1 =	vimm.f32 $0.0e+00;
	s9 =	ssub.s32 s9, s11;
	s7 =	sshll.u32 s8, $0xB;
	s11 =	simm.s32 $0x8080  }
0xa: {  	vm2 =	vmor vm3, vm2;
	vm3 =	vcmask $0x3F14;
	v2 =	vadd.s32 $0x100, v0;
	s8 =	sadd.s32 $0xA2C400, s10;
	s9 =	smax.u32 s9, $0x1;
	s10 =	simm.s32 $0x1  }
.LBB2_1:
0xb: {  	v3 =	vimm.f32 $0.0e+00;
	v4 =	vimm.f32 $0.0e+00;
	s16 =	simm.s32 $0x0  }
.LBB2_2:
0xc: {  	s17 =	sshll.u32 s16, $0x7  }
0xd: {  	s17 =	sadd.s32 s7, s17  }
0xe: {  	s19 =	sor.u32 $0x10000, s17  }
0xf: {  	s18 =	smul.u32 $0x101, s19;
	_ =	sdelay $0x1  }
0x10: {  	s18 =	sshrl.u32 s18, $0x3  }
0x11: {  	s20 =	sadd.s32 s3, s18;
	s18 =	simm.s32 $0x0  }
0x12: {  	[tilespmem:s18], [sflag:$0x1] =	stream.linear.gather [hbm4b:s20+s18], $0x8080, $0x38;
	[tilespmem:$0x8280] =	vst v63  }
0x13: {  	_ =	swait.ge [sflag:s10], $0x8080  }
0x14: {  	s31 =	sshrl.u32 s19, $0x3;
	[sflag:s10] =	ssyncset.done $0x0  }
0x15: {  	s20 =	sadd.s32 s4, s31;
	[sflag:s10] =	ssyncadd.s32 $0xFFFF7F80  }
0x16: {  	[tilespmem:s11], [sflag:$0x1] =	stream.linear.gather [hbm4b:s20+s18], $0x80, $0x38;
	[tilespmem:$0x8280] =	vst v63  }
0x17: {  	_ =	swait.ge [sflag:s10], $0x80  }
0x18: {  	s19 =	sshrl.u32 s19, $0x7;
	[sflag:s10] =	ssyncset.done $0x0  }
0x19: {  	s19 =	sadd.s32 s5, s19;
	[sflag:s10] =	ssyncadd.s32 $0xFFFFFF80  }
0x1a: {  	[tilespmem:s12], [sflag:$0x1] =	stream.linear.gather [hbm4b:s19+s18], $0x8, $0x38;
	[tilespmem:$0x8280] =	vst v63  }
0x1b: {  	_ =	swait.ge [sflag:s10], $0x8  }
0x1c: {  	[sflag:s10] =	ssyncset.done $0x0  }
0x1d: {  	[sflag:s10] =	ssyncadd.s32 $0xFFFFFFF8  }
.LBB2_3:
0x1e: {  	s19 =	sshll.u32 s18, $0x4  }
0x1f: {  	v5 =	vmov s19  }
0x20: {  	v5 =	vmul.u32 $0x101, v5;
	_ =	sdelay $0x1  }
0x21: {  	v7 =	vbroadcast v5, $0x0;
	_ =	sdelay $0x1  }
0x22: {  	s20 =	simm.s32 $0x7;
	v5 =	vadd.s32 v0, v7  }
0x23: {  	s21 =	simm.s32 $0x3;
	v6 =	vadd.s32 s20, v5  }
0x24: {  	s30 =	simm.s32 $0x2;
	v8 =	vadd.s32 s21, v5  }
0x25: {  	s31 =	simm.s32 $0x1;
	v9 =	vadd.s32 s30, v5  }
0x26: {  	v10 =	vadd.s32 s31, v5;
	s21 =	simm.s32 $0x0  }
0x27: {  	s22 =	simm.s32 $0x5;
	v11 =	vadd.s32 s21, v5  }
0x28: {  	s23 =	simm.s32 $0x4;
	v12 =	vadd.s32 s22, v5;
	v6 =	vld.idx.msk [tilespmem:v6+s2+$0x0], $0xffff  }
0x29: {  	s24 =	simm.s32 $0x6;
	v13 =	vadd.s32 s23, v5;
	v8 =	vld.idx.msk [tilespmem:v8+s2+$0x0], $0xffff  }
0x2a: {  	s25 =	simm.s32 $0xF;
	v14 =	vadd.s32 s24, v5;
	v9 =	vld.idx.msk [tilespmem:v9+s2+$0x0], $0xffff  }
0x2b: {  	s26 =	simm.s32 $0xB;
	v15 =	vadd.s32 s25, v5;
	v10 =	vld.idx.msk [tilespmem:v10+s2+$0x0], $0xffff  }
0x2c: {  	s28 =	simm.s32 $0xA;
	v16 =	vadd.s32 s26, v5;
	v11 =	vld.idx.msk [tilespmem:v11+s2+$0x0], $0xffff  }
0x2d: {  	v17 =	vadd.s32 s28, v5;
	v12 =	vld.idx.msk [tilespmem:v12+s2+$0x0], $0xffff;
	v6 =	vmul.f32 $1.442695020e+00, v6  }
0x2e: {  	v13 =	vld.idx.msk [tilespmem:v13+s2+$0x0], $0xffff;
	v8 =	vmul.f32 $1.442695020e+00, v8  }
0x2f: {  	s29 =	simm.s32 $0x9;
	v14 =	vld.idx.msk [tilespmem:v14+s2+$0x0], $0xffff;
	v9 =	vmul.f32 $1.442695020e+00, v9;
	(erf) = vpow2.f32 v6  }
0x30: {  	v18 =	vadd.s32 s29, v5;
	s30 =	simm.s32 $0xE;
	v15 =	vld.idx.msk [tilespmem:v15+s2+$0x0], $0xffff;
	v10 =	vmul.f32 $1.442695020e+00, v10;
	(erf) = vpow2.f32 v8  }
0x31: {  	s31 =	simm.s32 $0xD;
	v16 =	vld.idx.msk [tilespmem:v16+s2+$0x0], $0xffff;
	v11 =	vmul.f32 $1.442695020e+00, v11;
	v6 =	vadd.s32 s30, v5;
	(erf) = vpow2.f32 v9  }
0x32: {  	s22 =	simm.s32 $0x8;
	v17 =	vld.idx.msk [tilespmem:v17+s2+$0x0], $0xffff;
	v12 =	vmul.f32 $1.442695020e+00, v12;
	v8 =	vadd.s32 s31, v5;
	(erf) = vpow2.f32 v10  }
0x33: {  	s23 =	simm.s32 $0xC;
	v13 =	vmul.f32 $1.442695020e+00, v13;
	v9 =	vadd.s32 s22, v5;
	(erf) = vpow2.f32 v11  }
0x34: {  	v11 =	vmul.f32 $1.442695020e+00, v14;
	v14 =	vadd.s32 s23, v5;
	(erf) = vpow2.f32 v12  }
0x35: {  	v20 =	vmov s18;
	s25 =	simm.s32 $0x13;
	v18 =	vld.idx.msk [tilespmem:v18+s2+$0x0], $0xffff;
	(erf) = vpow2.f32 v13  }
0x36: {  	s26 =	simm.s32 $0x12;
	v29 =	vadd.s32 s25, v5;
	v23 =	vld.idx.msk [tilespmem:v6+s2+$0x0], $0xffff;
	(erf) = vpow2.f32 v11;
	v11 =	vmul.f32 $1.442695020e+00, v16  }
0x37: {  	s24 =	simm.s32 $0x17;
	s28 =	simm.s32 $0x11;
	s29 =	simm.s32 $0x16;
	v19 =	vadd.s32 s26, v5;
	v6 =	vmul.f32 $1.442695020e+00, v15;
	v15 =	vmul.f32 $1.442695020e+00, v17;
	v26 =	vld.idx.msk [tilespmem:v8+s2+$0x0], $0xffff  }
0x38: {  	v21 =	vadd.s32 s28, v5;
	v22 =	vadd.s32 s29, v5;
	s30 =	simm.s32 $0x15;
	v13 =	vadd.s32 s24, v5;
	v28 =	vld.idx.msk [tilespmem:v9+s2+$0x0], $0xffff  }
0x39: {  	v24 =	vadd.s32 s30, v5;
	v10 =	vimm.f32 $0.0e+00;
	(erf) = vpow2.f32 v6;
	v9 =	vpop (erf);
	v25 =	vld.idx.msk [tilespmem:v14+s2+$0x0], $0xffff  }
0x3a: {  	v17 =	vimm.f32 $0.0e+00;
	v8 =	vld [tilespmem:s19+$0x8080];
	v16 =	vmul.f32 $1.442695020e+00, v18;
	(erf) = vpow2.f32 v11;
	v11 =	vpop (erf)  }
0x3b: {  	s31 =	simm.s32 $0x10;
	v18 =	vld.idx.msk [tilespmem:v29+s2+$0x0], $0xffff;
	v14 =	vimm.f32 $0.0e+00;
	v12 =	vmul.f32 $1.442695020e+00, v23;
	(erf) = vpow2.f32 v15;
	v15 =	vpop (erf)  }
0x3c: {  	s22 =	simm.s32 $0x14;
	v6 =	vld.idx.msk [tilespmem:v20+s12+$0x0], $0xffff;
	v23 =	vadd.s32 s31, v5;
	v27 =	vmul.f32 $1.442695020e+00, v26;
	(erf) = vpow2.f32 v16;
	v26 =	vpop (erf)  }
0x3d: {  	s20 =	simm.s32 $0x1F;
	v20 =	vld.idx.msk [tilespmem:v13+s2+$0x0], $0xffff;
	v13 =	vimm.f32 $0.0e+00;
	v16 =	vadd.s32 s22, v5;
	v28 =	vmul.f32 $1.442695020e+00, v28;
	v29 =	vpop (erf)  }
.LBB2_4:
0x3e: {  	p0 =	sne.s32 s20, $0xFF;
	v30 =	vld.idx.msk [tilespmem:v19+s2+$0x0], $0xffff;
	v19 =	vmul.f32 $1.442695020e+00, v25;
	v10 =	vadd.f32 v29, v10;
	v17 =	vadd.f32 v26, v17;
	v25 =	vpop (erf)  }
0x3f: {  	v14 =	vadd.f32 v15, v14;
	v11 =	vadd.f32 v11, v13;
	v26 =	vld.idx.msk [tilespmem:v21+s2+$0x0], $0xffff;
	(erf) = vpow2.f32 v28;
	v13 =	vpop (erf)  }
0x40: {  	v28 =	vld.idx.msk [tilespmem:v22+s2+$0x0], $0xffff;
	(erf) = vpow2.f32 v27;
	v10 =	vadd.f32 v13, v10;
	v17 =	vadd.f32 v25, v17;
	v13 =	vpop (erf)  }
0x41: {  	v27 =	vld.idx.msk [tilespmem:v24+s2+$0x0], $0xffff;
	(erf) = vpow2.f32 v19;
	v14 =	vadd.f32 v13, v14;
	v13 =	vadd.f32 v9, v11  }
0x42: {  	s21 =	sadd.s32 $0xFFFFFFFC, s20;
	v29 =	vadd.s32 s20, v5;
	v20 =	vmul.f32 $1.442695020e+00, v20;
	v31 =	vld.idx.msk [tilespmem:v23+s2+$0x0], $0xffff;
	(erf) = vpow2.f32 v12;
	v9 =	vpop (erf)  }
0x43: {  	s22 =	sadd.s32 $0xFFFFFFFB, s20;
	v32 =	vadd.s32 s21, v5;
	v12 =	vmul.f32 $1.442695020e+00, v18;
	v25 =	vld.idx.msk [tilespmem:v16+s2+$0x0], $0xffff;
	v11 =	vpop (erf)  }
.Ltmp0:
0x44: {  	s21 =	sadd.s32 $0xFFFFFFFA, s20;
	v19 =	vadd.s32 s22, v5;
	v16 =	vmul.f32 $1.442695020e+00, v30;
	(erf) = vpow2.f32 v20;
	v15 =	vpop (erf);
	(pc) =	sbr.rel @p0 .LBB2_4-.Ltmp0, $4  }
0x45: {  	v21 =	vadd.s32 s21, v5;
	s21 =	sadd.s32 $0xFFFFFFFF, s20;
	v18 =	vmul.f32 $1.442695020e+00, v26;
	(erf) = vpow2.f32 v12;
	v26 =	vpop (erf)  }
0x46: {  	s22 =	sadd.s32 $0xFFFFFFFE, s20;
	v22 =	vadd.s32 s21, v5;
	v12 =	vmul.f32 $1.442695020e+00, v28;
	(erf) = vpow2.f32 v16  }
0x47: {  	s23 =	sadd.s32 $0xFFFFFFFD, s20;
	s21 =	sadd.s32 $0xFFFFFFF9, s20;
	v24 =	vadd.s32 s22, v5;
	v27 =	vmul.f32 $1.442695020e+00, v27;
	v20 =	vld.idx.msk [tilespmem:v29+s2+$0x0], $0xffff;
	(erf) = vpow2.f32 v18  }
0x48: {  	s20 =	sadd.s32 $0x8, s20;
	v23 =	vadd.s32 s21, v5;
	v16 =	vadd.s32 s23, v5;
	v28 =	vmul.f32 $1.442695020e+00, v31;
	v18 =	vld.idx.msk [tilespmem:v32+s2+$0x0], $0xffff;
	v29 =	vpop (erf)  }
0x49: {  	v25 =	vmul.f32 $1.442695020e+00, v25  }
0x4a: {  	v48 =	vadd.s32 $0xFFFFFFFE, v8;
	v10 =	vadd.f32 v29, v10;
	v17 =	vadd.f32 v26, v17  }
0x4b: {  	v14 =	vadd.f32 v15, v14;
	v11 =	vadd.f32 v11, v13;
	v31 =	vadd.s32 $0xFFFFFFFF, v8  }
0x4c: {  	v32 =	vadd.s32 $0x1, v8;
	v7 =	vadd.s32 v2, v7;
	vm5 =	vgt.s32 v8, $0x0  }
0x4d: {  	v49 =	vpop (erf);
	v39 =	vadd.s32 $0x2, v8;
	v41 =	vadd.s32 $0x3, v8;
	v45 =	vadd.s32 $0x4, v8  }
0x4e: {  	v19 =	vld.idx.msk [tilespmem:v19+s2+$0x0], $0xffff;
	(erf) = vpow2.f32 v28;
	vm4 =	vgt.s32 v48, $0x0;
	v51 =	vpop (erf);
	v34 =	vnsel vm5, $0x0, v8  }
0x4f: {  	v21 =	vld.idx.msk [tilespmem:v21+s2+$0x0], $0xffff;
	vm5 =	vlt.u32 v41, $0x100;
	(erf) = vpow2.f32 v27;
	v10 =	vadd.f32 v51, v10  }
0x50: {  	v22 =	vld.idx.msk [tilespmem:v22+s2+$0x0], $0xffff;
	v50 =	vnsel vm4, $0x0, v48;
	v59 =	vadd.f32 v49, v17;
	v9 =	vadd.f32 v9, v11  }
0x51: {  	v24 =	vld.idx.msk [tilespmem:v24+s2+$0x0], $0xffff;
	vm4 =	vlt.u32 v48, $0x100;
	v51 =	vsel vm5, $0x3C960AAE, v1;
	vm5 =	veq.s32 v6, $0x1  }
0x52: {  	v23 =	vld.idx.msk [tilespmem:v23+s2+$0x0], $0xffff;
	v53 =	vpop (erf);
	(erf) = vpow2.f32 v25;
	v20 =	vmul.f32 $1.442695020e+00, v20;
	v52 =	vmin.u32 v50, $0x100  }
0x53: {  	v16 =	vld.idx.msk [tilespmem:v16+s2+$0x0], $0xffff;
	v14 =	vadd.f32 v53, v14;
	v30 =	vsel vm4, $0x3B227290, v1;
	vm4 =	vgt.s32 v31, $0x0  }
0x54: {  	(erf) = vpow2.f32 v12;
	v54 =	vmul.f32 $1.442695020e+00, v18;
	v12 =	vadd.s32 v5, v52  }
0x55: {  	v33 =	vnsel vm4, $0x0, v31;
	v56 =	vmul.f32 $1.442695020e+00, v19;
	(erf) = vpow2.f32 v20  }
0x56: {  	vm4 =	vlt.u32 v31, $0x100;
	v58 =	vmul.f32 $1.442695020e+00, v21;
	v61 =	vmul.f32 $1.442695020e+00, v22  }
0x57: {  	v18 =	vmin.u32 v34, $0x100;
	v63 =	vmul.f32 $1.442695020e+00, v24;
	v23 =	vmul.f32 $1.442695020e+00, v23  }
0x58: {  	v55 =	vpop (erf);
	v16 =	vmul.f32 $1.442695020e+00, v16;
	v17 =	vmin.u32 v33, $0x100;
	v13 =	vsel vm4, $0x3C960AAE, v1  }
0x59: {  	v57 =	vpop (erf);
	vm4 =	vlt.u32 v8, $0x100;
	v18 =	vadd.s32 v5, v18;
	(erf) = vpow2.f32 v54  }
0x5a: {  	v9 =	vadd.f32 v57, v9;
	v17 =	vadd.s32 v5, v17;
	v15 =	vadd.f32 v13, v30  }
0x5b: {  	v60 =	vpop (erf);
	v35 =	vsel vm4, $0x3E0A9555, v1;
	vm4 =	vgt.s32 v32, $0x0;
	(erf) = vpow2.f32 v56  }
0x5c: {  	v62 =	vpop (erf);
	v14 =	vadd.f32 v60, v14;
	v36 =	vnsel vm4, $0x0, v32;
	vm4 =	vlt.u32 v32, $0x100  }
0x5d: {  	(erf) = vpow2.f32 v58;
	v25 =	vadd.f32 v62, v59;
	v9 =	vadd.f32 v55, v9  }
0x5e: {  	v15 =	vadd.f32 v15, v35;
	v38 =	vsel vm4, $0x3F800000, v1;
	vm4 =	vgt.s32 v39, $0x0;
	v24 =	vpop (erf)  }
0x5f: {  	v37 =	vmin.u32 v36, $0x100;
	(erf) = vpow2.f32 v23;
	v40 =	vnsel vm4, $0x0, v39;
	v26 =	vpop (erf)  }
0x60: {  	v12 =	vld.idx.msk [tilespmem:v12+s2+$0x0], $0xffff;
	vm4 =	vlt.u32 v39, $0x100;
	v15 =	vadd.f32 v15, v38;
	v27 =	vpop (erf);
	(erf) = vpow2.f32 v63  }
0x61: {  	v22 =	vmin.u32 v40, $0x100;
	(erf) = vpow2.f32 v16;
	v16 =	vadd.s32 v5, v37  }
0x62: {  	v42 =	vsel vm4, $0x3E0A9555, v1;
	vm4 =	vgt.s32 v41, $0x0;
	v17 =	vld.idx.msk [tilespmem:v17+s2+$0x0], $0xffff;
	v22 =	vadd.s32 v5, v22  }
0x63: {  	v7 =	vld.idx.msk [tilespmem:v7+s2+$0x0], $0xffff;
	v44 =	vnsel vm4, $0x0, v41;
	vm4 =	vgt.s32 v45, $0x0;
	v11 =	vadd.f32 v26, v25  }
0x64: {  	v18 =	vld.idx.msk [tilespmem:v18+s2+$0x0], $0xffff;
	v15 =	vadd.f32 v15, v42;
	v25 =	vmin.u32 v44, $0x100;
	v49 =	vnsel vm4, $0x0, v45;
	v29 =	vpop (erf)  }
0x65: {  	vm4 =	vgt.s32 v45, $0xFFFFFFFF;
	v48 =	vadd.s32 v5, v25;
	v12 =	vmul.f32 v12, v30;
	v43 =	vpop (erf)  }
0x66: {  	v25 =	vmin.u32 v49, $0x100;
	(erf) = vpow2.f32 v61;
	v15 =	vadd.f32 v15, v51;
	v46 =	vpop (erf);
	v16 =	vld.idx.msk [tilespmem:v16+s2+$0x0], $0xffff  }
0x67: {  	v5 =	vadd.s32 v5, v25;
	v12 =	vadd.f32 $0.0e+00, v12;
	v47 =	vpop (erf);
	v13 =	vmul.f32 v17, v13  }
0x68: {  	v7 =	vmul.f32 $1.442695020e+00, v7;
	v10 =	vadd.f32 v24, v10;
	v55 =	vsel vm4, $0x3B227290, v1;
	v54 =	vld.idx.msk [tilespmem:v22+s2+$0x0], $0xffff;
	v50 =	vpop (erf)  }
0x69: {  	v56 =	vmul.f32 v18, v35;
	v15 =	vadd.f32 v15, v55;
	v52 =	vpop (erf);
	v12 =	vadd.f32 v13, v12  }
0x6a: {  	v10 =	vadd.f32 v27, v10;
	v14 =	vadd.f32 v29, v14;
	v57 =	vpop (erf);
	(erf) = vpow2.f32 v7;
	v7 =	vld.idx.msk [tilespmem:v48+s2+$0x0], $0xffff  }
0x6b: {  	v12 =	vadd.f32 v56, v12;
	v58 =	vpop (erf);
	(erf) = vrcp.f32 v15;
	v59 =	vmul.f32 v16, v38  }
0x6c: {  	vm5 =	vmand vm5, vm1;
	v11 =	vadd.f32 v50, v11;
	v53 =	vadd.f32 v52, v10;
	v5 =	vld.idx.msk [tilespmem:v5+s2+$0x0], $0xffff  }
0x6d: {  	v14 =	vadd.f32 v47, v14;
	v10 =	vmul.f32 v54, v42;
	v12 =	vadd.f32 v59, v12  }
0x6e: {  	vm4 =	veq.s32 v6, $0x0;
	v11 =	vadd.f32 v57, v11;
	v8 =	vadd.f32 v58, v53  }
0x6f: {  	v9 =	vadd.f32 v46, v9;
	v60 =	vpop (erf);
	v7 =	vmul.f32 v7, v51;
	v10 =	vadd.f32 v10, v12  }
0x70: {  	vm4 =	vmand vm4, vm0;
	v61 =	vadd.f32 v60, v14;
	v8 =	vadd.f32 v11, v8  }
0x71: {  	vm4 =	vmor vm4, vm5;
	v5 =	vmul.f32 v5, v55;
	v7 =	vadd.f32 v7, v10  }
0x72: {  	vm5 =	veq.s32 v6, $0x2;
	v9 =	vadd.f32 v43, v9;
	v8 =	vadd.f32 v61, v8  }
0x73: {  	vm6 =	veq.s32 v6, $0x5;
	s18 =	sadd.s32 $0x1, s18;
	vm5 =	vmand vm5, vm2;
	v6 =	vpop (erf);
	v5 =	vadd.f32 v5, v7  }
0x74: {  	p0 =	sne.s32 s18, $0x8;
	vm4 =	vmor vm5, vm4;
	vm5 =	vmand vm6, vm3;
	v7 =	vadd.f32 v9, v8;
	v62 =	vpop (erf)  }
.Ltmp1:
0x75: {  	vm4 =	vmor vm5, vm4;
	v5 =	vmul.f32 v5, v62;
	(pc) =	sbr.rel @p0 .LBB2_3-.Ltmp1, $4  }
0x76: {  	v63 =	vsel vm4, $0x3F800000, v1;
	v6 =	vadd.f32 v6, v7  }
0x77: {  	v5 =	vmul.f32 v5, v63  }
0x78: {  	v6 =	vnsel vm4, $0x3F800000, v6  }
0x79: {  	v3 =	vadd.f32 v63, v3;
	[tilespmem:s19+$0x8180] =	vst v6;
	v4 =	vadd.f32 v5, v4  }
0x7a: {  	s16 =	sadd.s32 $0x1, s16  }
0x7b: {  	s17 =	sshrl.u32 s17, $0x3;
	p0 =	sne.s32 s16, $0x10  }
.Ltmp2:
0x7c: {  	s17 =	sadd.s32 s6, s17;
	(pc) =	sbr.rel @p0 .LBB2_2-.Ltmp2, $4  }
0x7d: {  	[hbm4b:s17+s2] =	stream.linear.scatter [tilespmem:s13], [sflag:$0x1], $0x80, $0x38;
	[tilespmem:$0x8280] =	vst v63  }
0x7e: {  	_ =	swait.ge [sflag:s10], $0x80  }
0x7f: {  	[sflag:s10] =	ssyncset.done $0x0  }
0x80: {  	[sflag:s10] =	ssyncadd.s32 $0xFFFFFF80  }
0x81: {  	s15 =	sadd.s32 $0x1, s15  }
0x82: {  	[tilespmem:$0x8200] =	vst v4;
	p0 =	sne.s32 s15, s9  }
.Ltmp3:
0x83: {  	[tilespmem:$0x8210] =	vst v3;
	(pc) =	sbr.rel @p0 .LBB2_1-.Ltmp3, $4  }
0x84: {  	[hbm4b:s8+s2] =	stream.linear.scatter [tilespmem:s14], [sflag:$0x1], $0x20, $0x38;
	[tilespmem:$0x8280] =	vst v63  }
0x85: {  	_ =	swait.ge [sflag:s10], $0x20  }
0x86: {  	[sflag:s10] =	ssyncset.done $0x0  }
0x87: {  	[sflag:s10] =	ssyncadd.s32 $0xFFFFFFE0  }
0x88: {  	_ =	sfence.sel $0x180000  }
0x89: {  	[bflag:$0x0] =	sbarrier.arrive $0xFFFF  }
0x8a: {  	p0 =	sne.s32 s1, $0x0;
	_ =	strace $0x90000047  }
0x8b: {  	s0 =	sadd.s32 @!p0 $0x100000, s0;
	[bflag:$0x2] =	sbarrier.arrive $0xFFFF  }
0x8c: {  	[sflag:s0] =	ssyncadd.tile.s32 @!p0 $0x1;
	_ =	shalt  }
.Lfunc_end2:
_tile_overlayer_lowered:
.L_overlay_start_2:
0x8d: {  	(tag) =	ssettag $0x2  }
0x8e: {  	s0 =	rddreg [dreg:$0x0];
	s2 =	stileid.u32  }
0x8f: {  	s1 =	rddreg [dreg:$0x1];
	p0 =	sne.s32 s2, $0x0  }
0x90: {  	s3 =	rddreg [dreg:$0x2];
	[bflag:$0x3] =	sbarrier.arrive $0xFFFF;
	s2 =	simm.s32 @!p0 $0x1C01  }
0x91: {  	[timem:s3], [sflag:s2] =	dma.local @!p0 [hbm:s0], s1  }
0x92: {  	s0 =	simm.s32 @!p0 $0x1  }
0x93: {  	_ =	swait.ge @!p0 [sflag:s0], s1  }
0x94: {  	s1 =	ssub.s32 @!p0 $0x0, s1;
	[sflag:s0] =	ssyncset.done @!p0 $0x0  }
0x95: {  	[sflag:s0] =	ssyncadd.s32 @!p0 s1  }
0x96: {  	[bflag:$0x3] =	sbarrier.arrive $0xFFFF  }
0x97: {  	_ =	shalt  }

</sc_bundles>
